<compile_context>
chip_gen: v7x
topology: tpu7x:2x2x1
jax: 0.10.2.dev20260603
libtpu: 0.0.44.dev20260713+nightly
codegen_flags: <defaults>
</compile_context>

<pallas_src>
import functools

import jax
import jax.numpy as jnp
from jax import lax
from jax.experimental import pallas as pl
from jax.experimental.pallas import tpu as pltpu
from jax.experimental.pallas import tpu_sc as plsc

N = 10000
E = 320000
D = 128
K = 3

NC = 2
NS = 16
NW = NC * NS
EPW = E // NW
N_PAD = 10240

_mesh = plsc.VectorSubcoreMesh(core_axis_name="c", subcore_axis_name="s")


@functools.partial(
    pl.kernel,
    out_type=jax.ShapeDtypeStruct((NW, N_PAD), jnp.float32),
    mesh=_mesh,
    scratch_types=[
        pltpu.VMEM((EPW // 16, 16), jnp.int32),
        pltpu.VMEM((N_PAD,), jnp.float32),
    ],
    compiler_params=pltpu.CompilerParams(needs_layout_passes=False),
)
def _sc_degree(dst_hbm, out_hbm, dst_v, deg_v):
    cid = lax.axis_index("c")
    sid = lax.axis_index("s")
    wid = cid * NS + sid
    pltpu.sync_copy(dst_hbm.at[wid], dst_v)

    zeros = jnp.zeros((16,), jnp.float32)

    def zbody(i, _):
        deg_v[pl.ds(i * 16, 16)] = zeros
        return 0

    lax.fori_loop(0, N_PAD // 16, zbody, 0)

    ones = jnp.ones((16,), jnp.float32)

    def body(j, _):
        idx = dst_v[j, pl.ds(0, 16)]
        plsc.addupdate_scatter(deg_v, [idx], ones)
        return 0

    lax.fori_loop(0, EPW // 16, body, 0)
    pltpu.sync_copy(deg_v, out_hbm.at[wid])


@functools.partial(
    pl.kernel,
    out_type=[
        jax.ShapeDtypeStruct((NW, N_PAD), jnp.float32),
        jax.ShapeDtypeStruct((NW, N_PAD), jnp.float32),
    ],
    mesh=_mesh,
    scratch_types=[
        pltpu.VMEM((EPW,), jnp.int32),
        pltpu.VMEM((EPW,), jnp.int32),
        pltpu.VMEM((N_PAD,), jnp.float32),
        pltpu.VMEM((N_PAD,), jnp.float32),
        pltpu.VMEM((N_PAD,), jnp.float32),
        pltpu.VMEM((N_PAD,), jnp.float32),
    ],
    compiler_params=pltpu.CompilerParams(needs_layout_passes=False),
)
def _sc_scalar_sum(src_hbm, dst_hbm, p_hbm, q_hbm, outp_hbm, outq_hbm,
                   src_v, dst_v, p_v, q_v, ap_v, aq_v):
    cid = lax.axis_index("c")
    sid = lax.axis_index("s")
    wid = cid * NS + sid
    pltpu.sync_copy(src_hbm.at[wid], src_v)
    pltpu.sync_copy(dst_hbm.at[wid], dst_v)
    pltpu.sync_copy(p_hbm, p_v)
    pltpu.sync_copy(q_hbm, q_v)

    zeros = jnp.zeros((16,), jnp.float32)

    def zbody(i, _):
        ap_v[pl.ds(i * 16, 16)] = zeros
        aq_v[pl.ds(i * 16, 16)] = zeros
        return 0

    lax.fori_loop(0, N_PAD // 16, zbody, 0)

    def body(j, _):
        o = pl.multiple_of(j * 16, 8)
        s_idx = src_v[pl.ds(o, 16)]
        d_idx = dst_v[pl.ds(o, 16)]
        plsc.addupdate_scatter(ap_v, [d_idx], plsc.load_gather(p_v, [s_idx]))
        plsc.addupdate_scatter(aq_v, [d_idx], plsc.load_gather(q_v, [s_idx]))
        return 0

    lax.fori_loop(0, EPW // 16, body, 0)
    pltpu.sync_copy(ap_v, outp_hbm.at[wid])
    pltpu.sync_copy(aq_v, outq_hbm.at[wid])


_BLK = 1024
_GRID = N_PAD // _BLK


_COL = lambda i: (i, 0)
_CSPEC = pl.BlockSpec((_BLK, 1), _COL)
_PSPEC = pl.BlockSpec((NW, _BLK), lambda i: (0, i))
_CSHAPE = jax.ShapeDtypeStruct((N_PAD, 1), jnp.float32)


def _tc_norm_body(w_ref, deg_ref, nrm_ref, p1_ref):
    deg = jnp.sum(deg_ref[...], axis=0)[:, None] + 1.0
    norm = lax.rsqrt(deg)
    nrm_ref[...] = norm
    p1_ref[...] = norm * w_ref[...]


def _tc_norm(weight_pad, deg_parts):
    return pl.pallas_call(
        _tc_norm_body,
        grid=(_GRID,),
        in_specs=[_CSPEC, _PSPEC],
        out_specs=[_CSPEC, _CSPEC],
        out_shape=[_CSHAPE, _CSHAPE],
    )(weight_pad, deg_parts)


def _tc_scal_combine_body(sp_ref, sq_ref, p1_ref, q1_ref, nrm_ref,
                          a1_ref, b1_ref, p2_ref, q2_ref):
    norm = nrm_ref[...]
    a1 = -norm * (jnp.sum(sp_ref[...], axis=0)[:, None] + p1_ref[...])
    b1 = -norm * (jnp.sum(sq_ref[...], axis=0)[:, None] + q1_ref[...])
    a1_ref[...] = a1
    b1_ref[...] = b1
    p2_ref[...] = norm * a1
    q2_ref[...] = norm * b1


def _tc_scal_combine(sp_parts, sq_parts, p1, q1, norm):
    return pl.pallas_call(
        _tc_scal_combine_body,
        grid=(_GRID,),
        in_specs=[_PSPEC, _PSPEC, _CSPEC, _CSPEC, _CSPEC],
        out_specs=[_CSPEC, _CSPEC, _CSPEC, _CSPEC],
        out_shape=[_CSHAPE, _CSHAPE, _CSHAPE, _CSHAPE],
    )(sp_parts, sq_parts, p1, q1, norm)


def _tc_conv1_body(sp_ref, sq_ref, p2_ref, q2_ref, w_ref, nrm_ref, a1_ref,
                   b1_ref, win_ref, bin_ref, cw_ref, cb_ref, cw2_ref,
                   wout_ref, e0_ref, e2_ref, pa_ref, qa_ref):
    norm = nrm_ref[...]
    ah2 = norm * (jnp.sum(sp_ref[...], axis=0)[:, None] + p2_ref[...])
    bh2 = norm * (jnp.sum(sq_ref[...], axis=0)[:, None] + q2_ref[...])
    a2 = -2.0 * ah2 - w_ref[...]
    b2 = -2.0 * bh2 - 1.0
    win, bin_ = win_ref[...], bin_ref[...]
    tx0 = w_ref[...] * win + bin_
    tx1 = a1_ref[...] * win + b1_ref[...] * bin_
    tx2 = a2 * win + b2 * bin_
    rst = (jnp.dot(tx0, cw_ref[0], preferred_element_type=jnp.float32)
           + jnp.dot(tx1, cw_ref[1], preferred_element_type=jnp.float32)
           + jnp.dot(tx2, cw_ref[2], preferred_element_type=jnp.float32)
           + cb_ref[...])
    emb = jnp.where(rst >= 0.0, rst, 0.01 * rst)
    wout = wout_ref[...]
    hi = lax.Precision.HIGHEST
    e0_ref[...] = jnp.dot(
        jnp.dot(emb, cw2_ref[0], preferred_element_type=jnp.float32),
        wout, preferred_element_type=jnp.float32)
    v1 = jnp.dot(cw2_ref[1], wout, precision=hi,
                 preferred_element_type=jnp.float32)
    v2 = jnp.dot(cw2_ref[2], wout, precision=hi,
                 preferred_element_type=jnp.float32)
    e1 = jnp.dot(emb, v1, precision=hi, preferred_element_type=jnp.float32)
    e2 = jnp.dot(emb, v2, precision=hi, preferred_element_type=jnp.float32)
    e2_ref[...] = e2
    pa_ref[...] = norm * e1
    qa_ref[...] = norm * e2


def _tc_conv1(sp_parts, sq_parts, p2, q2, weight_pad, norm, a1, b1,
              w_in, b_in, cw, cb, cw2, w_out):
    return pl.pallas_call(
        _tc_conv1_body,
        grid=(_GRID,),
        in_specs=[_PSPEC, _PSPEC, _CSPEC, _CSPEC, _CSPEC, _CSPEC, _CSPEC,
                  _CSPEC,
                  pl.BlockSpec((1, D), lambda i: (0, 0)),
                  pl.BlockSpec((1, D), lambda i: (0, 0)),
                  pl.BlockSpec((K, D, D), lambda i: (0, 0, 0)),
                  pl.BlockSpec((1, D), lambda i: (0, 0)),
                  pl.BlockSpec((K, D, D), lambda i: (0, 0, 0)),
                  pl.BlockSpec((D, 1), lambda i: (0, 0))],
        out_specs=[_CSPEC, _CSPEC, _CSPEC, _CSPEC],
        out_shape=[_CSHAPE, _CSHAPE, _CSHAPE, _CSHAPE],
    )(sp_parts, sq_parts, p2, q2, weight_pad, norm, a1, b1, w_in, b_in,
      cw, cb, cw2, w_out)


def _tc_zcomb_body(sp_ref, sq_ref, pa_ref, qa_ref, nrm_ref,
                   t1_ref, pb_ref):
    norm = nrm_ref[...]
    t1_ref[...] = -norm * (jnp.sum(sp_ref[...], axis=0)[:, None]
                           + pa_ref[...])
    z = -norm * (jnp.sum(sq_ref[...], axis=0)[:, None] + qa_ref[...])
    pb_ref[...] = norm * z


def _tc_zcomb(sp_parts, sq_parts, pa, qa, norm):
    return pl.pallas_call(
        _tc_zcomb_body,
        grid=(_GRID,),
        in_specs=[_PSPEC, _PSPEC, _CSPEC, _CSPEC, _CSPEC],
        out_specs=[_CSPEC, _CSPEC],
        out_shape=[_CSHAPE, _CSHAPE],
    )(sp_parts, sq_parts, pa, qa, norm)


def _tc_logits_body(sp_ref, pb_ref, nrm_ref, e0_ref, e2_ref, t1_ref,
                    cb2_ref, wout_ref, bout_ref, out_ref):
    h2v2 = nrm_ref[...] * (jnp.sum(sp_ref[...], axis=0)[:, None]
                           + pb_ref[...])
    t2v2 = -2.0 * h2v2 - e2_ref[...]
    bias = jnp.dot(cb2_ref[...], wout_ref[...],
                   preferred_element_type=jnp.float32)
    out_ref[...] = (e0_ref[...] + t1_ref[...] + t2v2 + bias
                    + bout_ref[...])


def _tc_logits(sp_parts, pb, norm, e0, e2, t1v1, cb2, w_out, b_out):
    return pl.pallas_call(
        _tc_logits_body,
        grid=(_GRID,),
        in_specs=[_PSPEC, _CSPEC, _CSPEC, _CSPEC, _CSPEC, _CSPEC,
                  pl.BlockSpec((1, D), lambda i: (0, 0)),
                  pl.BlockSpec((D, 1), lambda i: (0, 0)),
                  pl.BlockSpec((1, 1), lambda i: (0, 0))],
        out_specs=_CSPEC,
        out_shape=_CSHAPE,
    )(sp_parts, pb, norm, e0, e2, t1v1, cb2, w_out, b_out)


def kernel(weight, edge_index, W_in, b_in, cheb_w, cheb_b, W_out, b_out):
    src = edge_index[0].reshape(NW, EPW)
    dst_flat = edge_index[1].reshape(NW, EPW)
    dst_deg = edge_index[1].reshape(NW, EPW // 16, 16)
    weight_pad = jnp.pad(weight, (0, N_PAD - N)).reshape(N_PAD, 1)
    w_in = W_in.reshape(1, D)
    b_in = b_in.reshape(1, D)

    deg_parts = _sc_degree(dst_deg)
    norm, p1 = _tc_norm(weight_pad, deg_parts)

    sp1, sq1 = _sc_scalar_sum(src, dst_flat, p1.reshape(N_PAD),
                              norm.reshape(N_PAD))
    a1, b1, p2, q2 = _tc_scal_combine(sp1, sq1, p1, norm, norm)
    sp2, sq2 = _sc_scalar_sum(src, dst_flat, p2.reshape(N_PAD),
                              q2.reshape(N_PAD))
    e0, e2, pa, qa = _tc_conv1(sp2, sq2, p2, q2, weight_pad, norm, a1, b1,
                               w_in, b_in, cheb_w[0], cheb_b[0].reshape(1, D),
                               cheb_w[1], W_out)

    spa, sqa = _sc_scalar_sum(src, dst_flat, pa.reshape(N_PAD),
                              qa.reshape(N_PAD))
    t1v1, pb = _tc_zcomb(spa, sqa, pa, qa, norm)
    spb, _ = _sc_scalar_sum(src, dst_flat, pb.reshape(N_PAD),
                            pb.reshape(N_PAD))
    logits = _tc_logits(spb, pb, norm, e0, e2, t1v1,
                        cheb_b[1].reshape(1, D), W_out, b_out.reshape(1, 1))
    return logits[:N]

# --- scband reference (transcript-rebuilt; emitter-appended) ---
"""Pipeline reference for scband-chebnet-81398220194150 (READ-ONLY COPY).

The authoritative reference and input builder live on the scoring server;
editing this copy changes nothing except your own understanding.
"""

import jax, jax.numpy as jnp
import numpy as np

N = 10000
E = 320000
D = 128
K = 3
NUM_CONVS = 2


def setup_inputs(seed: int = 0) -> dict:
    key = jax.random.key(seed)
    ks = jax.random.split(key, 8)
    weight = jax.random.normal(ks[0], (N,), dtype=jnp.float32)
    edge_index = jax.random.randint(ks[1], (2, E), 0, N, dtype=jnp.int32)
    # Learned parameters
    W_in = jax.random.normal(ks[2], (1, D), dtype=jnp.float32) * 0.1
    b_in = jnp.zeros((D,), dtype=jnp.float32)
    cheb_w = jax.random.normal(ks[3], (NUM_CONVS, K, D, D), dtype=jnp.float32) * (1.0 / np.sqrt(D))
    cheb_b = jnp.zeros((NUM_CONVS, D), dtype=jnp.float32)
    W_out = jax.random.normal(ks[4], (D, 1), dtype=jnp.float32) * (1.0 / np.sqrt(D))
    b_out = jnp.zeros((1,), dtype=jnp.float32)
    return {"weight": weight, "edge_index": edge_index, "W_in": W_in, "b_in": b_in,
            "cheb_w": cheb_w, "cheb_b": cheb_b, "W_out": W_out, "b_out": b_out}


def _cheb_conv(x, Ws, b, src, dst, norm, n):
    # DGL ChebConv with lambda_max = 2 (default):
    # Tx_0 = x ; Tx_1 = L_hat x = -D^{-1/2} A D^{-1/2} x ; Tx_k = 2 L_hat Tx_{k-1} - Tx_{k-2}
    Tx0 = x
    rst = Tx0 @ Ws[0]
    h = jax.ops.segment_sum((Tx0 * norm[:, None])[src], dst, num_segments=n) * norm[:, None]
    Tx1 = -h
    rst = rst + Tx1 @ Ws[1]
    Tx_prev, Tx_cur = Tx0, Tx1
    for i in range(2, K):
        h = jax.ops.segment_sum((Tx_cur * norm[:, None])[src], dst, num_segments=n) * norm[:, None]
        Tx2 = -2.0 * h - Tx_prev
        rst = rst + Tx2 @ Ws[i]
        Tx_prev, Tx_cur = Tx_cur, Tx2
    return rst + b


def reference(weight, edge_index, W_in, b_in, cheb_w, cheb_b, W_out, b_out):
    n = weight.shape[0]
    # features = self.linear(weights.unsqueeze(-1))
    x = weight[:, None] @ W_in + b_in
    # graph = dgl.add_self_loop(graph)
    loops = jnp.arange(n, dtype=edge_index.dtype)
    src = jnp.concatenate([edge_index[0], loops])
    dst = jnp.concatenate([edge_index[1], loops])
    deg = jnp.zeros((n,), dtype=jnp.float32).at[dst].add(1.0)
    norm = jnp.power(jnp.clip(deg, 1.0, None), -0.5)
    # conv_0
    emb = _cheb_conv(x, cheb_w[0], cheb_b[0], src, dst, norm, n)
    # layers (num_layers - 1 = 1): LeakyReLU then conv
    emb = jax.nn.leaky_relu(emb, negative_slope=0.01)
    emb = _cheb_conv(emb, cheb_w[1], cheb_b[1], src, dst, norm, n)
    # do_train=True -> logits = self.predict(embedding)
    logits = emb @ W_out + b_out
    return logits

if __name__ == "__main__":
    import jax
    _d = setup_inputs()
    print(jax.jit(kernel)(*tuple(_d.values())))

</pallas_src>

<mosaic_0001>
#map = affine_map<(d0, d1) -> (0, 0, 0)>
#map1 = affine_map<(d0, d1) -> (0, 0)>
module attributes {stable_mosaic.version = 14 : i64} {
  func.func @_sc_degree(%arg0: i32, %arg1: i32, %arg2: memref<32x625x16xi32, #tpu.memory_space<hbm>>, %arg3: memref<32x10240xf32, #tpu.memory_space<hbm>>, %arg4: memref<625x16xi32, #tpu.memory_space<vmem>>, %arg5: memref<10240xf32, #tpu.memory_space<vmem>>) attributes {dimension_semantics = [#tpu.dimension_semantics<core_parallel>, #tpu.dimension_semantics<subcore_parallel>], iteration_bounds = array<i64: 2, 16>, scalar_prefetch = 0 : i64, scratch_operands = 2 : i64, tpu.core_type = #tpu.core_type<sc_vector_subcore>, window_params = [{transform_indices = #map}, {transform_indices = #map1}]} {
    %mul3A = arith.constant 16 : i32
    %mul3A_0 = arith.muli %arg0, %mul3A : i32
    %add3A = arith.addi %mul3A_0, %arg1 : i32
    "tpu.region"() ({
      %run_scoped3A = tpu.sem_alloc : memref<!tpu.dma_semaphore, #tpu.memory_space<semaphore_mem>>
      %dma_start3A = arith.constant 0 : i32
      %dma_start3A_17 = arith.constant 0 : i32
      %dma_start3A_18 = tpu.memref_slice %arg2[%add3A, %dma_start3A, %dma_start3A_17] : memref<32x625x16xi32, #tpu.memory_space<hbm>> -> memref<1x625x16xi32, #tpu.memory_space<hbm>>
      %dma_start3A_19 = tpu.memref_squeeze %dma_start3A_18 : memref<1x625x16xi32, #tpu.memory_space<hbm>> -> memref<625x16xi32, #tpu.memory_space<hbm>>
      %dma_start3A_20 = arith.constant 0 : i32
      %dma_start3A_21 = arith.constant 0 : i32
      %dma_start3A_22 = tpu.memref_slice %arg2[%add3A, %dma_start3A_20, %dma_start3A_21] : memref<32x625x16xi32, #tpu.memory_space<hbm>> -> memref<1x625x16xi32, #tpu.memory_space<hbm>>
      %dma_start3A_23 = tpu.memref_squeeze %dma_start3A_22 : memref<1x625x16xi32, #tpu.memory_space<hbm>> -> memref<625x16xi32, #tpu.memory_space<hbm>>
      tpu.enqueue_dma source(%dma_start3A_23 : memref<625x16xi32, #tpu.memory_space<hbm>>) target(%arg4 : memref<625x16xi32, #tpu.memory_space<vmem>>) target_semaphore(%run_scoped3A : memref<!tpu.dma_semaphore, #tpu.memory_space<semaphore_mem>>)
      %dma_wait3A = arith.constant 0 : i32
      %dma_wait3A_24 = arith.constant 0 : i32
      %dma_wait3A_25 = tpu.memref_slice %arg2[%add3A, %dma_wait3A, %dma_wait3A_24] : memref<32x625x16xi32, #tpu.memory_space<hbm>> -> memref<1x625x16xi32, #tpu.memory_space<hbm>>
      %dma_wait3A_26 = tpu.memref_squeeze %dma_wait3A_25 : memref<1x625x16xi32, #tpu.memory_space<hbm>> -> memref<625x16xi32, #tpu.memory_space<hbm>>
      %dma_wait3A_27 = arith.constant 0 : i32
      %dma_wait3A_28 = arith.constant 0 : i32
      %dma_wait3A_29 = tpu.memref_slice %arg2[%add3A, %dma_wait3A_27, %dma_wait3A_28] : memref<32x625x16xi32, #tpu.memory_space<hbm>> -> memref<1x625x16xi32, #tpu.memory_space<hbm>>
      %dma_wait3A_30 = tpu.memref_squeeze %dma_wait3A_29 : memref<1x625x16xi32, #tpu.memory_space<hbm>> -> memref<625x16xi32, #tpu.memory_space<hbm>>
      tpu.wait_dma2 semaphore(%run_scoped3A : memref<!tpu.dma_semaphore, #tpu.memory_space<semaphore_mem>>) src(%dma_wait3A_30 : memref<625x16xi32, #tpu.memory_space<hbm>>) dst(%arg4 : memref<625x16xi32, #tpu.memory_space<vmem>>)
      tpu.yield
    }) : () -> ()
    %broadcast_in_dim3A = arith.constant 0.000000e+00 : f32
    %broadcast_in_dim3A_1 = vector.broadcast %broadcast_in_dim3A : f32 to vector<16xf32>
    %scan3A = arith.constant 0 : i32
    %scan3A_2 = arith.constant 0 : i32
    %scan3A_3 = arith.constant 640 : i32
    %scan3A_4 = arith.addi %scan3A_2, %scan3A_3 : i32
    %scan3A_5 = arith.constant 1 : i32
    %scan3A_6 = scf.for %scan3A_17 = %scan3A_2 to %scan3A_4 step %scan3A_5 iter_args(%scan3A_18 = %scan3A) -> (i32)  : i32 {
      %mul3A_19 = arith.constant 16 : i32
      %mul3A_20 = arith.muli %scan3A_17, %mul3A_19 : i32
      %swap3A = arith.index_cast %mul3A_20 : i32 to index
      %swap3A_21 = tpu.vector_load %arg5[%swap3A] {strides = array<i32>} : memref<10240xf32, #tpu.memory_space<vmem>>, vector<16xf32>,
      tpu.vector_store %arg5[%swap3A], %broadcast_in_dim3A_1 {strides = array<i32>} : memref<10240xf32, #tpu.memory_space<vmem>>, vector<16xf32>,
      %scan3A_22 = arith.constant 0 : i32
      scf.yield %scan3A_22 : i32
    }
    %scan3A_7 = arith.constant 640 : i32
    %broadcast_in_dim3A_8 = arith.constant 1.000000e+00 : f32
    %broadcast_in_dim3A_9 = vector.broadcast %broadcast_in_dim3A_8 : f32 to vector<16xf32>
    %scan3A_10 = arith.constant 0 : i32
    %scan3A_11 = arith.constant 0 : i32
    %scan3A_12 = arith.constant 625 : i32
    %scan3A_13 = arith.addi %scan3A_11, %scan3A_12 : i32
    %scan3A_14 = arith.constant 1 : i32
    %scan3A_15 = scf.for %scan3A_17 = %scan3A_11 to %scan3A_13 step %scan3A_14 iter_args(%scan3A_18 = %scan3A_10) -> (i32)  : i32 {
      %get3A = arith.index_cast %scan3A_17 : i32 to index
      %get3A_19 = arith.constant 0 : index
      %get3A_20 = tpu.vector_load %arg4[%get3A, %get3A_19] {strides = array<i32>} : memref<625x16xi32, #tpu.memory_space<vmem>>, vector<16xi32>,
      tpu.vector_store_idx %arg5[%get3A_20], %broadcast_in_dim3A_9 {add = true} : memref<10240xf32, #tpu.memory_space<vmem>>[vector<16xi32>], vector<16xf32>,
      %scan3A_21 = arith.constant 0 : i32
      scf.yield %scan3A_21 : i32
    }
    %scan3A_16 = arith.constant 625 : i32
    "tpu.region"() ({
      %run_scoped3A = tpu.sem_alloc : memref<!tpu.dma_semaphore, #tpu.memory_space<semaphore_mem>>
      %dma_start3A = arith.constant 0 : i32
      %dma_start3A_17 = tpu.memref_slice %arg3[%add3A, %dma_start3A] : memref<32x10240xf32, #tpu.memory_space<hbm>> -> memref<1x10240xf32, #tpu.memory_space<hbm>>
      %dma_start3A_18 = tpu.memref_squeeze %dma_start3A_17 : memref<1x10240xf32, #tpu.memory_space<hbm>> -> memref<10240xf32, #tpu.memory_space<hbm>>
      %dma_start3A_19 = arith.constant 0 : i32
      %dma_start3A_20 = tpu.memref_slice %arg3[%add3A, %dma_start3A_19] : memref<32x10240xf32, #tpu.memory_space<hbm>> -> memref<1x10240xf32, #tpu.memory_space<hbm>>
      %dma_start3A_21 = tpu.memref_squeeze %dma_start3A_20 : memref<1x10240xf32, #tpu.memory_space<hbm>> -> memref<10240xf32, #tpu.memory_space<hbm>>
      tpu.enqueue_dma source(%arg5 : memref<10240xf32, #tpu.memory_space<vmem>>) target(%dma_start3A_21 : memref<10240xf32, #tpu.memory_space<hbm>>) target_semaphore(%run_scoped3A : memref<!tpu.dma_semaphore, #tpu.memory_space<semaphore_mem>>)
      %dma_wait3A = arith.constant 0 : i32
      %dma_wait3A_22 = tpu.memref_slice %arg3[%add3A, %dma_wait3A] : memref<32x10240xf32, #tpu.memory_space<hbm>> -> memref<1x10240xf32, #tpu.memory_space<hbm>>
      %dma_wait3A_23 = tpu.memref_squeeze %dma_wait3A_22 : memref<1x10240xf32, #tpu.memory_space<hbm>> -> memref<10240xf32, #tpu.memory_space<hbm>>
      %dma_wait3A_24 = arith.constant 0 : i32
      %dma_wait3A_25 = tpu.memref_slice %arg3[%add3A, %dma_wait3A_24] : memref<32x10240xf32, #tpu.memory_space<hbm>> -> memref<1x10240xf32, #tpu.memory_space<hbm>>
      %dma_wait3A_26 = tpu.memref_squeeze %dma_wait3A_25 : memref<1x10240xf32, #tpu.memory_space<hbm>> -> memref<10240xf32, #tpu.memory_space<hbm>>
      tpu.wait_dma2 semaphore(%run_scoped3A : memref<!tpu.dma_semaphore, #tpu.memory_space<semaphore_mem>>) src(%arg5 : memref<10240xf32, #tpu.memory_space<vmem>>) dst(%dma_wait3A_26 : memref<10240xf32, #tpu.memory_space<hbm>>)
      tpu.yield
    }) : () -> ()
    return
  }
}

#map = affine_map<(d0, d1) -> (0, 0)>
#map1 = affine_map<(d0, d1) -> (0)>
module attributes {stable_mosaic.version = 14 : i64} {
  func.func @_sc_scalar_sum(%arg0: i32, %arg1: i32, %arg2: memref<32x10000xi32, #tpu.memory_space<hbm>>, %arg3: memref<32x10000xi32, #tpu.memory_space<hbm>>, %arg4: memref<10240xf32, #tpu.memory_space<hbm>>, %arg5: memref<10240xf32, #tpu.memory_space<hbm>>, %arg6: memref<32x10240xf32, #tpu.memory_space<hbm>>, %arg7: memref<32x10240xf32, #tpu.memory_space<hbm>>, %arg8: memref<10000xi32, #tpu.memory_space<vmem>>, %arg9: memref<10000xi32, #tpu.memory_space<vmem>>, %arg10: memref<10240xf32, #tpu.memory_space<vmem>>, %arg11: memref<10240xf32, #tpu.memory_space<vmem>>, %arg12: memref<10240xf32, #tpu.memory_space<vmem>>, %arg13: memref<10240xf32, #tpu.memory_space<vmem>>) attributes {dimension_semantics = [#tpu.dimension_semantics<core_parallel>, #tpu.dimension_semantics<subcore_parallel>], iteration_bounds = array<i64: 2, 16>, scalar_prefetch = 0 : i64, scratch_operands = 6 : i64, tpu.core_type = #tpu.core_type<sc_vector_subcore>, window_params = [{transform_indices = #map}, {transform_indices = #map}, {transform_indices = #map1}, {transform_indices = #map1}, {transform_indices = #map}, {transform_indices = #map}]} {
    %mul3A = arith.constant 16 : i32
    %mul3A_0 = arith.muli %arg0, %mul3A : i32
    %add3A = arith.addi %mul3A_0, %arg1 : i32
    "tpu.region"() ({
      %run_scoped3A = tpu.sem_alloc : memref<!tpu.dma_semaphore, #tpu.memory_space<semaphore_mem>>
      %dma_start3A = arith.constant 0 : i32
      %dma_start3A_15 = tpu.memref_slice %arg2[%add3A, %dma_start3A] : memref<32x10000xi32, #tpu.memory_space<hbm>> -> memref<1x10000xi32, #tpu.memory_space<hbm>>
      %dma_start3A_16 = tpu.memref_squeeze %dma_start3A_15 : memref<1x10000xi32, #tpu.memory_space<hbm>> -> memref<10000xi32, #tpu.memory_space<hbm>>
      %dma_start3A_17 = arith.constant 0 : i32
      %dma_start3A_18 = tpu.memref_slice %arg2[%add3A, %dma_start3A_17] : memref<32x10000xi32, #tpu.memory_space<hbm>> -> memref<1x10000xi32, #tpu.memory_space<hbm>>
      %dma_start3A_19 = tpu.memref_squeeze %dma_start3A_18 : memref<1x10000xi32, #tpu.memory_space<hbm>> -> memref<10000xi32, #tpu.memory_space<hbm>>
      tpu.enqueue_dma source(%dma_start3A_19 : memref<10000xi32, #tpu.memory_space<hbm>>) target(%arg8 : memref<10000xi32, #tpu.memory_space<vmem>>) target_semaphore(%run_scoped3A : memref<!tpu.dma_semaphore, #tpu.memory_space<semaphore_mem>>)
      %dma_wait3A = arith.constant 0 : i32
      %dma_wait3A_20 = tpu.memref_slice %arg2[%add3A, %dma_wait3A] : memref<32x10000xi32, #tpu.memory_space<hbm>> -> memref<1x10000xi32, #tpu.memory_space<hbm>>
      %dma_wait3A_21 = tpu.memref_squeeze %dma_wait3A_20 : memref<1x10000xi32, #tpu.memory_space<hbm>> -> memref<10000xi32, #tpu.memory_space<hbm>>
      %dma_wait3A_22 = arith.constant 0 : i32
      %dma_wait3A_23 = tpu.memref_slice %arg2[%add3A, %dma_wait3A_22] : memref<32x10000xi32, #tpu.memory_space<hbm>> -> memref<1x10000xi32, #tpu.memory_space<hbm>>
      %dma_wait3A_24 = tpu.memref_squeeze %dma_wait3A_23 : memref<1x10000xi32, #tpu.memory_space<hbm>> -> memref<10000xi32, #tpu.memory_space<hbm>>
      tpu.wait_dma2 semaphore(%run_scoped3A : memref<!tpu.dma_semaphore, #tpu.memory_space<semaphore_mem>>) src(%dma_wait3A_24 : memref<10000xi32, #tpu.memory_space<hbm>>) dst(%arg8 : memref<10000xi32, #tpu.memory_space<vmem>>)
      tpu.yield
    }) : () -> ()
    "tpu.region"() ({
      %run_scoped3A = tpu.sem_alloc : memref<!tpu.dma_semaphore, #tpu.memory_space<semaphore_mem>>
      %dma_start3A = arith.constant 0 : i32
      %dma_start3A_15 = tpu.memref_slice %arg3[%add3A, %dma_start3A] : memref<32x10000xi32, #tpu.memory_space<hbm>> -> memref<1x10000xi32, #tpu.memory_space<hbm>>
      %dma_start3A_16 = tpu.memref_squeeze %dma_start3A_15 : memref<1x10000xi32, #tpu.memory_space<hbm>> -> memref<10000xi32, #tpu.memory_space<hbm>>
      %dma_start3A_17 = arith.constant 0 : i32
      %dma_start3A_18 = tpu.memref_slice %arg3[%add3A, %dma_start3A_17] : memref<32x10000xi32, #tpu.memory_space<hbm>> -> memref<1x10000xi32, #tpu.memory_space<hbm>>
      %dma_start3A_19 = tpu.memref_squeeze %dma_start3A_18 : memref<1x10000xi32, #tpu.memory_space<hbm>> -> memref<10000xi32, #tpu.memory_space<hbm>>
      tpu.enqueue_dma source(%dma_start3A_19 : memref<10000xi32, #tpu.memory_space<hbm>>) target(%arg9 : memref<10000xi32, #tpu.memory_space<vmem>>) target_semaphore(%run_scoped3A : memref<!tpu.dma_semaphore, #tpu.memory_space<semaphore_mem>>)
      %dma_wait3A = arith.constant 0 : i32
      %dma_wait3A_20 = tpu.memref_slice %arg3[%add3A, %dma_wait3A] : memref<32x10000xi32, #tpu.memory_space<hbm>> -> memref<1x10000xi32, #tpu.memory_space<hbm>>
      %dma_wait3A_21 = tpu.memref_squeeze %dma_wait3A_20 : memref<1x10000xi32, #tpu.memory_space<hbm>> -> memref<10000xi32, #tpu.memory_space<hbm>>
      %dma_wait3A_22 = arith.constant 0 : i32
      %dma_wait3A_23 = tpu.memref_slice %arg3[%add3A, %dma_wait3A_22] : memref<32x10000xi32, #tpu.memory_space<hbm>> -> memref<1x10000xi32, #tpu.memory_space<hbm>>
      %dma_wait3A_24 = tpu.memref_squeeze %dma_wait3A_23 : memref<1x10000xi32, #tpu.memory_space<hbm>> -> memref<10000xi32, #tpu.memory_space<hbm>>
      tpu.wait_dma2 semaphore(%run_scoped3A : memref<!tpu.dma_semaphore, #tpu.memory_space<semaphore_mem>>) src(%dma_wait3A_24 : memref<10000xi32, #tpu.memory_space<hbm>>) dst(%arg9 : memref<10000xi32, #tpu.memory_space<vmem>>)
      tpu.yield
    }) : () -> ()
    "tpu.region"() ({
      %run_scoped3A = tpu.sem_alloc : memref<!tpu.dma_semaphore, #tpu.memory_space<semaphore_mem>>
      tpu.enqueue_dma source(%arg4 : memref<10240xf32, #tpu.memory_space<hbm>>) target(%arg10 : memref<10240xf32, #tpu.memory_space<vmem>>) target_semaphore(%run_scoped3A : memref<!tpu.dma_semaphore, #tpu.memory_space<semaphore_mem>>)
      tpu.wait_dma2 semaphore(%run_scoped3A : memref<!tpu.dma_semaphore, #tpu.memory_space<semaphore_mem>>) src(%arg4 : memref<10240xf32, #tpu.memory_space<hbm>>) dst(%arg10 : memref<10240xf32, #tpu.memory_space<vmem>>)
      tpu.yield
    }) : () -> ()
    "tpu.region"() ({
      %run_scoped3A = tpu.sem_alloc : memref<!tpu.dma_semaphore, #tpu.memory_space<semaphore_mem>>
      tpu.enqueue_dma source(%arg5 : memref<10240xf32, #tpu.memory_space<hbm>>) target(%arg11 : memref<10240xf32, #tpu.memory_space<vmem>>) target_semaphore(%run_scoped3A : memref<!tpu.dma_semaphore, #tpu.memory_space<semaphore_mem>>)
      tpu.wait_dma2 semaphore(%run_scoped3A : memref<!tpu.dma_semaphore, #tpu.memory_space<semaphore_mem>>) src(%arg5 : memref<10240xf32, #tpu.memory_space<hbm>>) dst(%arg11 : memref<10240xf32, #tpu.memory_space<vmem>>)
      tpu.yield
    }) : () -> ()
    %broadcast_in_dim3A = arith.constant 0.000000e+00 : f32
    %broadcast_in_dim3A_1 = vector.broadcast %broadcast_in_dim3A : f32 to vector<16xf32>
    %scan3A = arith.constant 0 : i32
    %scan3A_2 = arith.constant 0 : i32
    %scan3A_3 = arith.constant 640 : i32
    %scan3A_4 = arith.addi %scan3A_2, %scan3A_3 : i32
    %scan3A_5 = arith.constant 1 : i32
    %scan3A_6 = scf.for %scan3A_15 = %scan3A_2 to %scan3A_4 step %scan3A_5 iter_args(%scan3A_16 = %scan3A) -> (i32)  : i32 {
      %mul3A_17 = arith.constant 16 : i32
      %mul3A_18 = arith.muli %scan3A_15, %mul3A_17 : i32
      %swap3A = arith.index_cast %mul3A_18 : i32 to index
      %swap3A_19 = tpu.vector_load %arg12[%swap3A] {strides = array<i32>} : memref<10240xf32, #tpu.memory_space<vmem>>, vector<16xf32>,
      tpu.vector_store %arg12[%swap3A], %broadcast_in_dim3A_1 {strides = array<i32>} : memref<10240xf32, #tpu.memory_space<vmem>>, vector<16xf32>,
      %mul3A_20 = arith.constant 16 : i32
      %mul3A_21 = arith.muli %scan3A_15, %mul3A_20 : i32
      %swap3A_22 = arith.index_cast %mul3A_21 : i32 to index
      %swap3A_23 = tpu.vector_load %arg13[%swap3A_22] {strides = array<i32>} : memref<10240xf32, #tpu.memory_space<vmem>>, vector<16xf32>,
      tpu.vector_store %arg13[%swap3A_22], %broadcast_in_dim3A_1 {strides = array<i32>} : memref<10240xf32, #tpu.memory_space<vmem>>, vector<16xf32>,
      %scan3A_24 = arith.constant 0 : i32
      scf.yield %scan3A_24 : i32
    }
    %scan3A_7 = arith.constant 640 : i32
    %scan3A_8 = arith.constant 0 : i32
    %scan3A_9 = arith.constant 0 : i32
    %scan3A_10 = arith.constant 625 : i32
    %scan3A_11 = arith.addi %scan3A_9, %scan3A_10 : i32
    %scan3A_12 = arith.constant 1 : i32
    %scan3A_13 = scf.for %scan3A_15 = %scan3A_9 to %scan3A_11 step %scan3A_12 iter_args(%scan3A_16 = %scan3A_8) -> (i32)  : i32 {
      %mul3A_17 = arith.constant 16 : i32
      %mul3A_18 = arith.muli %scan3A_15, %mul3A_17 : i32
      %multiple_of3A = tpu.assume_multiple %mul3A_18, 8 : i32
      %get3A = arith.index_cast %multiple_of3A : i32 to index
      %get3A_19 = tpu.vector_load %arg8[%get3A] {strides = array<i32>} : memref<10000xi32, #tpu.memory_space<vmem>>, vector<16xi32>,
      %get3A_20 = arith.index_cast %multiple_of3A : i32 to index
      %get3A_21 = tpu.vector_load %arg9[%get3A_20] {strides = array<i32>} : memref<10000xi32, #tpu.memory_space<vmem>>, vector<16xi32>,
      %gather3A = tpu.vector_load_idx %arg10[%get3A_19] : memref<10240xf32, #tpu.memory_space<vmem>>[vector<16xi32>], vector<16xf32>,
      tpu.vector_store_idx %arg12[%get3A_21], %gather3A {add = true} : memref<10240xf32, #tpu.memory_space<vmem>>[vector<16xi32>], vector<16xf32>,
      %gather3A_22 = tpu.vector_load_idx %arg11[%get3A_19] : memref<10240xf32, #tpu.memory_space<vmem>>[vector<16xi32>], vector<16xf32>,
      tpu.vector_store_idx %arg13[%get3A_21], %gather3A_22 {add = true} : memref<10240xf32, #tpu.memory_space<vmem>>[vector<16xi32>], vector<16xf32>,
      %scan3A_23 = arith.constant 0 : i32
      scf.yield %scan3A_23 : i32
    }
    %scan3A_14 = arith.constant 625 : i32
    "tpu.region"() ({
      %run_scoped3A = tpu.sem_alloc : memref<!tpu.dma_semaphore, #tpu.memory_space<semaphore_mem>>
      %dma_start3A = arith.constant 0 : i32
      %dma_start3A_15 = tpu.memref_slice %arg6[%add3A, %dma_start3A] : memref<32x10240xf32, #tpu.memory_space<hbm>> -> memref<1x10240xf32, #tpu.memory_space<hbm>>
      %dma_start3A_16 = tpu.memref_squeeze %dma_start3A_15 : memref<1x10240xf32, #tpu.memory_space<hbm>> -> memref<10240xf32, #tpu.memory_space<hbm>>
      %dma_start3A_17 = arith.constant 0 : i32
      %dma_start3A_18 = tpu.memref_slice %arg6[%add3A, %dma_start3A_17] : memref<32x10240xf32, #tpu.memory_space<hbm>> -> memref<1x10240xf32, #tpu.memory_space<hbm>>
      %dma_start3A_19 = tpu.memref_squeeze %dma_start3A_18 : memref<1x10240xf32, #tpu.memory_space<hbm>> -> memref<10240xf32, #tpu.memory_space<hbm>>
      tpu.enqueue_dma source(%arg12 : memref<10240xf32, #tpu.memory_space<vmem>>) target(%dma_start3A_19 : memref<10240xf32, #tpu.memory_space<hbm>>) target_semaphore(%run_scoped3A : memref<!tpu.dma_semaphore, #tpu.memory_space<semaphore_mem>>)
      %dma_wait3A = arith.constant 0 : i32
      %dma_wait3A_20 = tpu.memref_slice %arg6[%add3A, %dma_wait3A] : memref<32x10240xf32, #tpu.memory_space<hbm>> -> memref<1x10240xf32, #tpu.memory_space<hbm>>
      %dma_wait3A_21 = tpu.memref_squeeze %dma_wait3A_20 : memref<1x10240xf32, #tpu.memory_space<hbm>> -> memref<10240xf32, #tpu.memory_space<hbm>>
      %dma_wait3A_22 = arith.constant 0 : i32
      %dma_wait3A_23 = tpu.memref_slice %arg6[%add3A, %dma_wait3A_22] : memref<32x10240xf32, #tpu.memory_space<hbm>> -> memref<1x10240xf32, #tpu.memory_space<hbm>>
      %dma_wait3A_24 = tpu.memref_squeeze %dma_wait3A_23 : memref<1x10240xf32, #tpu.memory_space<hbm>> -> memref<10240xf32, #tpu.memory_space<hbm>>
      tpu.wait_dma2 semaphore(%run_scoped3A : memref<!tpu.dma_semaphore, #tpu.memory_space<semaphore_mem>>) src(%arg12 : memref<10240xf32, #tpu.memory_space<vmem>>) dst(%dma_wait3A_24 : memref<10240xf32, #tpu.memory_space<hbm>>)
      tpu.yield
    }) : () -> ()
    "tpu.region"() ({
      %run_scoped3A = tpu.sem_alloc : memref<!tpu.dma_semaphore, #tpu.memory_space<semaphore_mem>>
      %dma_start3A = arith.constant 0 : i32
      %dma_start3A_15 = tpu.memref_slice %arg7[%add3A, %dma_start3A] : memref<32x10240xf32, #tpu.memory_space<hbm>> -> memref<1x10240xf32, #tpu.memory_space<hbm>>
      %dma_start3A_16 = tpu.memref_squeeze %dma_start3A_15 : memref<1x10240xf32, #tpu.memory_space<hbm>> -> memref<10240xf32, #tpu.memory_space<hbm>>
      %dma_start3A_17 = arith.constant 0 : i32
      %dma_start3A_18 = tpu.memref_slice %arg7[%add3A, %dma_start3A_17] : memref<32x10240xf32, #tpu.memory_space<hbm>> -> memref<1x10240xf32, #tpu.memory_space<hbm>>
      %dma_start3A_19 = tpu.memref_squeeze %dma_start3A_18 : memref<1x10240xf32, #tpu.memory_space<hbm>> -> memref<10240xf32, #tpu.memory_space<hbm>>
      tpu.enqueue_dma source(%arg13 : memref<10240xf32, #tpu.memory_space<vmem>>) target(%dma_start3A_19 : memref<10240xf32, #tpu.memory_space<hbm>>) target_semaphore(%run_scoped3A : memref<!tpu.dma_semaphore, #tpu.memory_space<semaphore_mem>>)
      %dma_wait3A = arith.constant 0 : i32
      %dma_wait3A_20 = tpu.memref_slice %arg7[%add3A, %dma_wait3A] : memref<32x10240xf32, #tpu.memory_space<hbm>> -> memref<1x10240xf32, #tpu.memory_space<hbm>>
      %dma_wait3A_21 = tpu.memref_squeeze %dma_wait3A_20 : memref<1x10240xf32, #tpu.memory_space<hbm>> -> memref<10240xf32, #tpu.memory_space<hbm>>
      %dma_wait3A_22 = arith.constant 0 : i32
      %dma_wait3A_23 = tpu.memref_slice %arg7[%add3A, %dma_wait3A_22] : memref<32x10240xf32, #tpu.memory_space<hbm>> -> memref<1x10240xf32, #tpu.memory_space<hbm>>
      %dma_wait3A_24 = tpu.memref_squeeze %dma_wait3A_23 : memref<1x10240xf32, #tpu.memory_space<hbm>> -> memref<10240xf32, #tpu.memory_space<hbm>>
      tpu.wait_dma2 semaphore(%run_scoped3A : memref<!tpu.dma_semaphore, #tpu.memory_space<semaphore_mem>>) src(%arg13 : memref<10240xf32, #tpu.memory_space<vmem>>) dst(%dma_wait3A_24 : memref<10240xf32, #tpu.memory_space<hbm>>)
      tpu.yield
    }) : () -> ()
    return
  }
}

#map = affine_map<(d0, d1) -> (0, 0)>
#map1 = affine_map<(d0, d1) -> (0)>
module attributes {stable_mosaic.version = 14 : i64} {
  func.func @_sc_scalar_sum(%arg0: i32, %arg1: i32, %arg2: memref<32x10000xi32, #tpu.memory_space<hbm>>, %arg3: memref<32x10000xi32, #tpu.memory_space<hbm>>, %arg4: memref<10240xf32, #tpu.memory_space<hbm>>, %arg5: memref<10240xf32, #tpu.memory_space<hbm>>, %arg6: memref<32x10240xf32, #tpu.memory_space<hbm>>, %arg7: memref<32x10240xf32, #tpu.memory_space<hbm>>, %arg8: memref<10000xi32, #tpu.memory_space<vmem>>, %arg9: memref<10000xi32, #tpu.memory_space<vmem>>, %arg10: memref<10240xf32, #tpu.memory_space<vmem>>, %arg11: memref<10240xf32, #tpu.memory_space<vmem>>, %arg12: memref<10240xf32, #tpu.memory_space<vmem>>, %arg13: memref<10240xf32, #tpu.memory_space<vmem>>) attributes {dimension_semantics = [#tpu.dimension_semantics<core_parallel>, #tpu.dimension_semantics<subcore_parallel>], iteration_bounds = array<i64: 2, 16>, scalar_prefetch = 0 : i64, scratch_operands = 6 : i64, tpu.core_type = #tpu.core_type<sc_vector_subcore>, window_params = [{transform_indices = #map}, {transform_indices = #map}, {transform_indices = #map1}, {transform_indices = #map1}, {transform_indices = #map}, {transform_indices = #map}]} {
    %mul3A = arith.constant 16 : i32
    %mul3A_0 = arith.muli %arg0, %mul3A : i32
    %add3A = arith.addi %mul3A_0, %arg1 : i32
    "tpu.region"() ({
      %run_scoped3A = tpu.sem_alloc : memref<!tpu.dma_semaphore, #tpu.memory_space<semaphore_mem>>
      %dma_start3A = arith.constant 0 : i32
      %dma_start3A_15 = tpu.memref_slice %arg2[%add3A, %dma_start3A] : memref<32x10000xi32, #tpu.memory_space<hbm>> -> memref<1x10000xi32, #tpu.memory_space<hbm>>
      %dma_start3A_16 = tpu.memref_squeeze %dma_start3A_15 : memref<1x10000xi32, #tpu.memory_space<hbm>> -> memref<10000xi32, #tpu.memory_space<hbm>>
      %dma_start3A_17 = arith.constant 0 : i32
      %dma_start3A_18 = tpu.memref_slice %arg2[%add3A, %dma_start3A_17] : memref<32x10000xi32, #tpu.memory_space<hbm>> -> memref<1x10000xi32, #tpu.memory_space<hbm>>
      %dma_start3A_19 = tpu.memref_squeeze %dma_start3A_18 : memref<1x10000xi32, #tpu.memory_space<hbm>> -> memref<10000xi32, #tpu.memory_space<hbm>>
      tpu.enqueue_dma source(%dma_start3A_19 : memref<10000xi32, #tpu.memory_space<hbm>>) target(%arg8 : memref<10000xi32, #tpu.memory_space<vmem>>) target_semaphore(%run_scoped3A : memref<!tpu.dma_semaphore, #tpu.memory_space<semaphore_mem>>)
      %dma_wait3A = arith.constant 0 : i32
      %dma_wait3A_20 = tpu.memref_slice %arg2[%add3A, %dma_wait3A] : memref<32x10000xi32, #tpu.memory_space<hbm>> -> memref<1x10000xi32, #tpu.memory_space<hbm>>
      %dma_wait3A_21 = tpu.memref_squeeze %dma_wait3A_20 : memref<1x10000xi32, #tpu.memory_space<hbm>> -> memref<10000xi32, #tpu.memory_space<hbm>>
      %dma_wait3A_22 = arith.constant 0 : i32
      %dma_wait3A_23 = tpu.memref_slice %arg2[%add3A, %dma_wait3A_22] : memref<32x10000xi32, #tpu.memory_space<hbm>> -> memref<1x10000xi32, #tpu.memory_space<hbm>>
      %dma_wait3A_24 = tpu.memref_squeeze %dma_wait3A_23 : memref<1x10000xi32, #tpu.memory_space<hbm>> -> memref<10000xi32, #tpu.memory_space<hbm>>
      tpu.wait_dma2 semaphore(%run_scoped3A : memref<!tpu.dma_semaphore, #tpu.memory_space<semaphore_mem>>) src(%dma_wait3A_24 : memref<10000xi32, #tpu.memory_space<hbm>>) dst(%arg8 : memref<10000xi32, #tpu.memory_space<vmem>>)
      tpu.yield
    }) : () -> ()
    "tpu.region"() ({
      %run_scoped3A = tpu.sem_alloc : memref<!tpu.dma_semaphore, #tpu.memory_space<semaphore_mem>>
      %dma_start3A = arith.constant 0 : i32
      %dma_start3A_15 = tpu.memref_slice %arg3[%add3A, %dma_start3A] : memref<32x10000xi32, #tpu.memory_space<hbm>> -> memref<1x10000xi32, #tpu.memory_space<hbm>>
      %dma_start3A_16 = tpu.memref_squeeze %dma_start3A_15 : memref<1x10000xi32, #tpu.memory_space<hbm>> -> memref<10000xi32, #tpu.memory_space<hbm>>
      %dma_start3A_17 = arith.constant 0 : i32
      %dma_start3A_18 = tpu.memref_slice %arg3[%add3A, %dma_start3A_17] : memref<32x10000xi32, #tpu.memory_space<hbm>> -> memref<1x10000xi32, #tpu.memory_space<hbm>>
      %dma_start3A_19 = tpu.memref_squeeze %dma_start3A_18 : memref<1x10000xi32, #tpu.memory_space<hbm>> -> memref<10000xi32, #tpu.memory_space<hbm>>
      tpu.enqueue_dma source(%dma_start3A_19 : memref<10000xi32, #tpu.memory_space<hbm>>) target(%arg9 : memref<10000xi32, #tpu.memory_space<vmem>>) target_semaphore(%run_scoped3A : memref<!tpu.dma_semaphore, #tpu.memory_space<semaphore_mem>>)
      %dma_wait3A = arith.constant 0 : i32
      %dma_wait3A_20 = tpu.memref_slice %arg3[%add3A, %dma_wait3A] : memref<32x10000xi32, #tpu.memory_space<hbm>> -> memref<1x10000xi32, #tpu.memory_space<hbm>>
      %dma_wait3A_21 = tpu.memref_squeeze %dma_wait3A_20 : memref<1x10000xi32, #tpu.memory_space<hbm>> -> memref<10000xi32, #tpu.memory_space<hbm>>
      %dma_wait3A_22 = arith.constant 0 : i32
      %dma_wait3A_23 = tpu.memref_slice %arg3[%add3A, %dma_wait3A_22] : memref<32x10000xi32, #tpu.memory_space<hbm>> -> memref<1x10000xi32, #tpu.memory_space<hbm>>
      %dma_wait3A_24 = tpu.memref_squeeze %dma_wait3A_23 : memref<1x10000xi32, #tpu.memory_space<hbm>> -> memref<10000xi32, #tpu.memory_space<hbm>>
      tpu.wait_dma2 semaphore(%run_scoped3A : memref<!tpu.dma_semaphore, #tpu.memory_space<semaphore_mem>>) src(%dma_wait3A_24 : memref<10000xi32, #tpu.memory_space<hbm>>) dst(%arg9 : memref<10000xi32, #tpu.memory_space<vmem>>)
      tpu.yield
    }) : () -> ()
    "tpu.region"() ({
      %run_scoped3A = tpu.sem_alloc : memref<!tpu.dma_semaphore, #tpu.memory_space<semaphore_mem>>
      tpu.enqueue_dma source(%arg4 : memref<10240xf32, #tpu.memory_space<hbm>>) target(%arg10 : memref<10240xf32, #tpu.memory_space<vmem>>) target_semaphore(%run_scoped3A : memref<!tpu.dma_semaphore, #tpu.memory_space<semaphore_mem>>)
      tpu.wait_dma2 semaphore(%run_scoped3A : memref<!tpu.dma_semaphore, #tpu.memory_space<semaphore_mem>>) src(%arg4 : memref<10240xf32, #tpu.memory_space<hbm>>) dst(%arg10 : memref<10240xf32, #tpu.memory_space<vmem>>)
      tpu.yield
    }) : () -> ()
    "tpu.region"() ({
      %run_scoped3A = tpu.sem_alloc : memref<!tpu.dma_semaphore, #tpu.memory_space<semaphore_mem>>
      tpu.enqueue_dma source(%arg5 : memref<10240xf32, #tpu.memory_space<hbm>>) target(%arg11 : memref<10240xf32, #tpu.memory_space<vmem>>) target_semaphore(%run_scoped3A : memref<!tpu.dma_semaphore, #tpu.memory_space<semaphore_mem>>)
      tpu.wait_dma2 semaphore(%run_scoped3A : memref<!tpu.dma_semaphore, #tpu.memory_space<semaphore_mem>>) src(%arg5 : memref<10240xf32, #tpu.memory_space<hbm>>) dst(%arg11 : memref<10240xf32, #tpu.memory_space<vmem>>)
      tpu.yield
    }) : () -> ()
    %broadcast_in_dim3A = arith.constant 0.000000e+00 : f32
    %broadcast_in_dim3A_1 = vector.broadcast %broadcast_in_dim3A : f32 to vector<16xf32>
    %scan3A = arith.constant 0 : i32
    %scan3A_2 = arith.constant 0 : i32
    %scan3A_3 = arith.constant 640 : i32
    %scan3A_4 = arith.addi %scan3A_2, %scan3A_3 : i32
    %scan3A_5 = arith.constant 1 : i32
    %scan3A_6 = scf.for %scan3A_15 = %scan3A_2 to %scan3A_4 step %scan3A_5 iter_args(%scan3A_16 = %scan3A) -> (i32)  : i32 {
      %mul3A_17 = arith.constant 16 : i32
      %mul3A_18 = arith.muli %scan3A_15, %mul3A_17 : i32
      %swap3A = arith.index_cast %mul3A_18 : i32 to index
      %swap3A_19 = tpu.vector_load %arg12[%swap3A] {strides = array<i32>} : memref<10240xf32, #tpu.memory_space<vmem>>, vector<16xf32>,
      tpu.vector_store %arg12[%swap3A], %broadcast_in_dim3A_1 {strides = array<i32>} : memref<10240xf32, #tpu.memory_space<vmem>>, vector<16xf32>,
      %mul3A_20 = arith.constant 16 : i32
      %mul3A_21 = arith.muli %scan3A_15, %mul3A_20 : i32
      %swap3A_22 = arith.index_cast %mul3A_21 : i32 to index
      %swap3A_23 = tpu.vector_load %arg13[%swap3A_22] {strides = array<i32>} : memref<10240xf32, #tpu.memory_space<vmem>>, vector<16xf32>,
      tpu.vector_store %arg13[%swap3A_22], %broadcast_in_dim3A_1 {strides = array<i32>} : memref<10240xf32, #tpu.memory_space<vmem>>, vector<16xf32>,
      %scan3A_24 = arith.constant 0 : i32
      scf.yield %scan3A_24 : i32
    }
    %scan3A_7 = arith.constant 640 : i32
    %scan3A_8 = arith.constant 0 : i32
    %scan3A_9 = arith.constant 0 : i32
    %scan3A_10 = arith.constant 625 : i32
    %scan3A_11 = arith.addi %scan3A_9, %scan3A_10 : i32
    %scan3A_12 = arith.constant 1 : i32
    %scan3A_13 = scf.for %scan3A_15 = %scan3A_9 to %scan3A_11 step %scan3A_12 iter_args(%scan3A_16 = %scan3A_8) -> (i32)  : i32 {
      %mul3A_17 = arith.constant 16 : i32
      %mul3A_18 = arith.muli %scan3A_15, %mul3A_17 : i32
      %multiple_of3A = tpu.assume_multiple %mul3A_18, 8 : i32
      %get3A = arith.index_cast %multiple_of3A : i32 to index
      %get3A_19 = tpu.vector_load %arg8[%get3A] {strides = array<i32>} : memref<10000xi32, #tpu.memory_space<vmem>>, vector<16xi32>,
      %get3A_20 = arith.index_cast %multiple_of3A : i32 to index
      %get3A_21 = tpu.vector_load %arg9[%get3A_20] {strides = array<i32>} : memref<10000xi32, #tpu.memory_space<vmem>>, vector<16xi32>,
      %gather3A = tpu.vector_load_idx %arg10[%get3A_19] : memref<10240xf32, #tpu.memory_space<vmem>>[vector<16xi32>], vector<16xf32>,
      tpu.vector_store_idx %arg12[%get3A_21], %gather3A {add = true} : memref<10240xf32, #tpu.memory_space<vmem>>[vector<16xi32>], vector<16xf32>,
      %gather3A_22 = tpu.vector_load_idx %arg11[%get3A_19] : memref<10240xf32, #tpu.memory_space<vmem>>[vector<16xi32>], vector<16xf32>,
      tpu.vector_store_idx %arg13[%get3A_21], %gather3A_22 {add = true} : memref<10240xf32, #tpu.memory_space<vmem>>[vector<16xi32>], vector<16xf32>,
      %scan3A_23 = arith.constant 0 : i32
      scf.yield %scan3A_23 : i32
    }
    %scan3A_14 = arith.constant 625 : i32
    "tpu.region"() ({
      %run_scoped3A = tpu.sem_alloc : memref<!tpu.dma_semaphore, #tpu.memory_space<semaphore_mem>>
      %dma_start3A = arith.constant 0 : i32
      %dma_start3A_15 = tpu.memref_slice %arg6[%add3A, %dma_start3A] : memref<32x10240xf32, #tpu.memory_space<hbm>> -> memref<1x10240xf32, #tpu.memory_space<hbm>>
      %dma_start3A_16 = tpu.memref_squeeze %dma_start3A_15 : memref<1x10240xf32, #tpu.memory_space<hbm>> -> memref<10240xf32, #tpu.memory_space<hbm>>
      %dma_start3A_17 = arith.constant 0 : i32
      %dma_start3A_18 = tpu.memref_slice %arg6[%add3A, %dma_start3A_17] : memref<32x10240xf32, #tpu.memory_space<hbm>> -> memref<1x10240xf32, #tpu.memory_space<hbm>>
      %dma_start3A_19 = tpu.memref_squeeze %dma_start3A_18 : memref<1x10240xf32, #tpu.memory_space<hbm>> -> memref<10240xf32, #tpu.memory_space<hbm>>
      tpu.enqueue_dma source(%arg12 : memref<10240xf32, #tpu.memory_space<vmem>>) target(%dma_start3A_19 : memref<10240xf32, #tpu.memory_space<hbm>>) target_semaphore(%run_scoped3A : memref<!tpu.dma_semaphore, #tpu.memory_space<semaphore_mem>>)
      %dma_wait3A = arith.constant 0 : i32
      %dma_wait3A_20 = tpu.memref_slice %arg6[%add3A, %dma_wait3A] : memref<32x10240xf32, #tpu.memory_space<hbm>> -> memref<1x10240xf32, #tpu.memory_space<hbm>>
      %dma_wait3A_21 = tpu.memref_squeeze %dma_wait3A_20 : memref<1x10240xf32, #tpu.memory_space<hbm>> -> memref<10240xf32, #tpu.memory_space<hbm>>
      %dma_wait3A_22 = arith.constant 0 : i32
      %dma_wait3A_23 = tpu.memref_slice %arg6[%add3A, %dma_wait3A_22] : memref<32x10240xf32, #tpu.memory_space<hbm>> -> memref<1x10240xf32, #tpu.memory_space<hbm>>
      %dma_wait3A_24 = tpu.memref_squeeze %dma_wait3A_23 : memref<1x10240xf32, #tpu.memory_space<hbm>> -> memref<10240xf32, #tpu.memory_space<hbm>>
      tpu.wait_dma2 semaphore(%run_scoped3A : memref<!tpu.dma_semaphore, #tpu.memory_space<semaphore_mem>>) src(%arg12 : memref<10240xf32, #tpu.memory_space<vmem>>) dst(%dma_wait3A_24 : memref<10240xf32, #tpu.memory_space<hbm>>)
      tpu.yield
    }) : () -> ()
    "tpu.region"() ({
      %run_scoped3A = tpu.sem_alloc : memref<!tpu.dma_semaphore, #tpu.memory_space<semaphore_mem>>
      %dma_start3A = arith.constant 0 : i32
      %dma_start3A_15 = tpu.memref_slice %arg7[%add3A, %dma_start3A] : memref<32x10240xf32, #tpu.memory_space<hbm>> -> memref<1x10240xf32, #tpu.memory_space<hbm>>
      %dma_start3A_16 = tpu.memref_squeeze %dma_start3A_15 : memref<1x10240xf32, #tpu.memory_space<hbm>> -> memref<10240xf32, #tpu.memory_space<hbm>>
      %dma_start3A_17 = arith.constant 0 : i32
      %dma_start3A_18 = tpu.memref_slice %arg7[%add3A, %dma_start3A_17] : memref<32x10240xf32, #tpu.memory_space<hbm>> -> memref<1x10240xf32, #tpu.memory_space<hbm>>
      %dma_start3A_19 = tpu.memref_squeeze %dma_start3A_18 : memref<1x10240xf32, #tpu.memory_space<hbm>> -> memref<10240xf32, #tpu.memory_space<hbm>>
      tpu.enqueue_dma source(%arg13 : memref<10240xf32, #tpu.memory_space<vmem>>) target(%dma_start3A_19 : memref<10240xf32, #tpu.memory_space<hbm>>) target_semaphore(%run_scoped3A : memref<!tpu.dma_semaphore, #tpu.memory_space<semaphore_mem>>)
      %dma_wait3A = arith.constant 0 : i32
      %dma_wait3A_20 = tpu.memref_slice %arg7[%add3A, %dma_wait3A] : memref<32x10240xf32, #tpu.memory_space<hbm>> -> memref<1x10240xf32, #tpu.memory_space<hbm>>
      %dma_wait3A_21 = tpu.memref_squeeze %dma_wait3A_20 : memref<1x10240xf32, #tpu.memory_space<hbm>> -> memref<10240xf32, #tpu.memory_space<hbm>>
      %dma_wait3A_22 = arith.constant 0 : i32
      %dma_wait3A_23 = tpu.memref_slice %arg7[%add3A, %dma_wait3A_22] : memref<32x10240xf32, #tpu.memory_space<hbm>> -> memref<1x10240xf32, #tpu.memory_space<hbm>>
      %dma_wait3A_24 = tpu.memref_squeeze %dma_wait3A_23 : memref<1x10240xf32, #tpu.memory_space<hbm>> -> memref<10240xf32, #tpu.memory_space<hbm>>
      tpu.wait_dma2 semaphore(%run_scoped3A : memref<!tpu.dma_semaphore, #tpu.memory_space<semaphore_mem>>) src(%arg13 : memref<10240xf32, #tpu.memory_space<vmem>>) dst(%dma_wait3A_24 : memref<10240xf32, #tpu.memory_space<hbm>>)
      tpu.yield
    }) : () -> ()
    return
  }
}

#map = affine_map<(d0, d1) -> (0, 0)>
#map1 = affine_map<(d0, d1) -> (0)>
module attributes {stable_mosaic.version = 14 : i64} {
  func.func @_sc_scalar_sum(%arg0: i32, %arg1: i32, %arg2: memref<32x10000xi32, #tpu.memory_space<hbm>>, %arg3: memref<32x10000xi32, #tpu.memory_space<hbm>>, %arg4: memref<10240xf32, #tpu.memory_space<hbm>>, %arg5: memref<10240xf32, #tpu.memory_space<hbm>>, %arg6: memref<32x10240xf32, #tpu.memory_space<hbm>>, %arg7: memref<32x10240xf32, #tpu.memory_space<hbm>>, %arg8: memref<10000xi32, #tpu.memory_space<vmem>>, %arg9: memref<10000xi32, #tpu.memory_space<vmem>>, %arg10: memref<10240xf32, #tpu.memory_space<vmem>>, %arg11: memref<10240xf32, #tpu.memory_space<vmem>>, %arg12: memref<10240xf32, #tpu.memory_space<vmem>>, %arg13: memref<10240xf32, #tpu.memory_space<vmem>>) attributes {dimension_semantics = [#tpu.dimension_semantics<core_parallel>, #tpu.dimension_semantics<subcore_parallel>], iteration_bounds = array<i64: 2, 16>, scalar_prefetch = 0 : i64, scratch_operands = 6 : i64, tpu.core_type = #tpu.core_type<sc_vector_subcore>, window_params = [{transform_indices = #map}, {transform_indices = #map}, {transform_indices = #map1}, {transform_indices = #map1}, {transform_indices = #map}, {transform_indices = #map}]} {
    %mul3A = arith.constant 16 : i32
    %mul3A_0 = arith.muli %arg0, %mul3A : i32
    %add3A = arith.addi %mul3A_0, %arg1 : i32
    "tpu.region"() ({
      %run_scoped3A = tpu.sem_alloc : memref<!tpu.dma_semaphore, #tpu.memory_space<semaphore_mem>>
      %dma_start3A = arith.constant 0 : i32
      %dma_start3A_15 = tpu.memref_slice %arg2[%add3A, %dma_start3A] : memref<32x10000xi32, #tpu.memory_space<hbm>> -> memref<1x10000xi32, #tpu.memory_space<hbm>>
      %dma_start3A_16 = tpu.memref_squeeze %dma_start3A_15 : memref<1x10000xi32, #tpu.memory_space<hbm>> -> memref<10000xi32, #tpu.memory_space<hbm>>
      %dma_start3A_17 = arith.constant 0 : i32
      %dma_start3A_18 = tpu.memref_slice %arg2[%add3A, %dma_start3A_17] : memref<32x10000xi32, #tpu.memory_space<hbm>> -> memref<1x10000xi32, #tpu.memory_space<hbm>>
      %dma_start3A_19 = tpu.memref_squeeze %dma_start3A_18 : memref<1x10000xi32, #tpu.memory_space<hbm>> -> memref<10000xi32, #tpu.memory_space<hbm>>
      tpu.enqueue_dma source(%dma_start3A_19 : memref<10000xi32, #tpu.memory_space<hbm>>) target(%arg8 : memref<10000xi32, #tpu.memory_space<vmem>>) target_semaphore(%run_scoped3A : memref<!tpu.dma_semaphore, #tpu.memory_space<semaphore_mem>>)
      %dma_wait3A = arith.constant 0 : i32
      %dma_wait3A_20 = tpu.memref_slice %arg2[%add3A, %dma_wait3A] : memref<32x10000xi32, #tpu.memory_space<hbm>> -> memref<1x10000xi32, #tpu.memory_space<hbm>>
      %dma_wait3A_21 = tpu.memref_squeeze %dma_wait3A_20 : memref<1x10000xi32, #tpu.memory_space<hbm>> -> memref<10000xi32, #tpu.memory_space<hbm>>
      %dma_wait3A_22 = arith.constant 0 : i32
      %dma_wait3A_23 = tpu.memref_slice %arg2[%add3A, %dma_wait3A_22] : memref<32x10000xi32, #tpu.memory_space<hbm>> -> memref<1x10000xi32, #tpu.memory_space<hbm>>
      %dma_wait3A_24 = tpu.memref_squeeze %dma_wait3A_23 : memref<1x10000xi32, #tpu.memory_space<hbm>> -> memref<10000xi32, #tpu.memory_space<hbm>>
      tpu.wait_dma2 semaphore(%run_scoped3A : memref<!tpu.dma_semaphore, #tpu.memory_space<semaphore_mem>>) src(%dma_wait3A_24 : memref<10000xi32, #tpu.memory_space<hbm>>) dst(%arg8 : memref<10000xi32, #tpu.memory_space<vmem>>)
      tpu.yield
    }) : () -> ()
    "tpu.region"() ({
      %run_scoped3A = tpu.sem_alloc : memref<!tpu.dma_semaphore, #tpu.memory_space<semaphore_mem>>
      %dma_start3A = arith.constant 0 : i32
      %dma_start3A_15 = tpu.memref_slice %arg3[%add3A, %dma_start3A] : memref<32x10000xi32, #tpu.memory_space<hbm>> -> memref<1x10000xi32, #tpu.memory_space<hbm>>
      %dma_start3A_16 = tpu.memref_squeeze %dma_start3A_15 : memref<1x10000xi32, #tpu.memory_space<hbm>> -> memref<10000xi32, #tpu.memory_space<hbm>>
      %dma_start3A_17 = arith.constant 0 : i32
      %dma_start3A_18 = tpu.memref_slice %arg3[%add3A, %dma_start3A_17] : memref<32x10000xi32, #tpu.memory_space<hbm>> -> memref<1x10000xi32, #tpu.memory_space<hbm>>
      %dma_start3A_19 = tpu.memref_squeeze %dma_start3A_18 : memref<1x10000xi32, #tpu.memory_space<hbm>> -> memref<10000xi32, #tpu.memory_space<hbm>>
      tpu.enqueue_dma source(%dma_start3A_19 : memref<10000xi32, #tpu.memory_space<hbm>>) target(%arg9 : memref<10000xi32, #tpu.memory_space<vmem>>) target_semaphore(%run_scoped3A : memref<!tpu.dma_semaphore, #tpu.memory_space<semaphore_mem>>)
      %dma_wait3A = arith.constant 0 : i32
      %dma_wait3A_20 = tpu.memref_slice %arg3[%add3A, %dma_wait3A] : memref<32x10000xi32, #tpu.memory_space<hbm>> -> memref<1x10000xi32, #tpu.memory_space<hbm>>
      %dma_wait3A_21 = tpu.memref_squeeze %dma_wait3A_20 : memref<1x10000xi32, #tpu.memory_space<hbm>> -> memref<10000xi32, #tpu.memory_space<hbm>>
      %dma_wait3A_22 = arith.constant 0 : i32
      %dma_wait3A_23 = tpu.memref_slice %arg3[%add3A, %dma_wait3A_22] : memref<32x10000xi32, #tpu.memory_space<hbm>> -> memref<1x10000xi32, #tpu.memory_space<hbm>>
      %dma_wait3A_24 = tpu.memref_squeeze %dma_wait3A_23 : memref<1x10000xi32, #tpu.memory_space<hbm>> -> memref<10000xi32, #tpu.memory_space<hbm>>
      tpu.wait_dma2 semaphore(%run_scoped3A : memref<!tpu.dma_semaphore, #tpu.memory_space<semaphore_mem>>) src(%dma_wait3A_24 : memref<10000xi32, #tpu.memory_space<hbm>>) dst(%arg9 : memref<10000xi32, #tpu.memory_space<vmem>>)
      tpu.yield
    }) : () -> ()
    "tpu.region"() ({
      %run_scoped3A = tpu.sem_alloc : memref<!tpu.dma_semaphore, #tpu.memory_space<semaphore_mem>>
      tpu.enqueue_dma source(%arg4 : memref<10240xf32, #tpu.memory_space<hbm>>) target(%arg10 : memref<10240xf32, #tpu.memory_space<vmem>>) target_semaphore(%run_scoped3A : memref<!tpu.dma_semaphore, #tpu.memory_space<semaphore_mem>>)
      tpu.wait_dma2 semaphore(%run_scoped3A : memref<!tpu.dma_semaphore, #tpu.memory_space<semaphore_mem>>) src(%arg4 : memref<10240xf32, #tpu.memory_space<hbm>>) dst(%arg10 : memref<10240xf32, #tpu.memory_space<vmem>>)
      tpu.yield
    }) : () -> ()
    "tpu.region"() ({
      %run_scoped3A = tpu.sem_alloc : memref<!tpu.dma_semaphore, #tpu.memory_space<semaphore_mem>>
      tpu.enqueue_dma source(%arg5 : memref<10240xf32, #tpu.memory_space<hbm>>) target(%arg11 : memref<10240xf32, #tpu.memory_space<vmem>>) target_semaphore(%run_scoped3A : memref<!tpu.dma_semaphore, #tpu.memory_space<semaphore_mem>>)
      tpu.wait_dma2 semaphore(%run_scoped3A : memref<!tpu.dma_semaphore, #tpu.memory_space<semaphore_mem>>) src(%arg5 : memref<10240xf32, #tpu.memory_space<hbm>>) dst(%arg11 : memref<10240xf32, #tpu.memory_space<vmem>>)
      tpu.yield
    }) : () -> ()
    %broadcast_in_dim3A = arith.constant 0.000000e+00 : f32
    %broadcast_in_dim3A_1 = vector.broadcast %broadcast_in_dim3A : f32 to vector<16xf32>
    %scan3A = arith.constant 0 : i32
    %scan3A_2 = arith.constant 0 : i32
    %scan3A_3 = arith.constant 640 : i32
    %scan3A_4 = arith.addi %scan3A_2, %scan3A_3 : i32
    %scan3A_5 = arith.constant 1 : i32
    %scan3A_6 = scf.for %scan3A_15 = %scan3A_2 to %scan3A_4 step %scan3A_5 iter_args(%scan3A_16 = %scan3A) -> (i32)  : i32 {
      %mul3A_17 = arith.constant 16 : i32
      %mul3A_18 = arith.muli %scan3A_15, %mul3A_17 : i32
      %swap3A = arith.index_cast %mul3A_18 : i32 to index
      %swap3A_19 = tpu.vector_load %arg12[%swap3A] {strides = array<i32>} : memref<10240xf32, #tpu.memory_space<vmem>>, vector<16xf32>,
      tpu.vector_store %arg12[%swap3A], %broadcast_in_dim3A_1 {strides = array<i32>} : memref<10240xf32, #tpu.memory_space<vmem>>, vector<16xf32>,
      %mul3A_20 = arith.constant 16 : i32
      %mul3A_21 = arith.muli %scan3A_15, %mul3A_20 : i32
      %swap3A_22 = arith.index_cast %mul3A_21 : i32 to index
      %swap3A_23 = tpu.vector_load %arg13[%swap3A_22] {strides = array<i32>} : memref<10240xf32, #tpu.memory_space<vmem>>, vector<16xf32>,
      tpu.vector_store %arg13[%swap3A_22], %broadcast_in_dim3A_1 {strides = array<i32>} : memref<10240xf32, #tpu.memory_space<vmem>>, vector<16xf32>,
      %scan3A_24 = arith.constant 0 : i32
      scf.yield %scan3A_24 : i32
    }
    %scan3A_7 = arith.constant 640 : i32
    %scan3A_8 = arith.constant 0 : i32
    %scan3A_9 = arith.constant 0 : i32
    %scan3A_10 = arith.constant 625 : i32
    %scan3A_11 = arith.addi %scan3A_9, %scan3A_10 : i32
    %scan3A_12 = arith.constant 1 : i32
    %scan3A_13 = scf.for %scan3A_15 = %scan3A_9 to %scan3A_11 step %scan3A_12 iter_args(%scan3A_16 = %scan3A_8) -> (i32)  : i32 {
      %mul3A_17 = arith.constant 16 : i32
      %mul3A_18 = arith.muli %scan3A_15, %mul3A_17 : i32
      %multiple_of3A = tpu.assume_multiple %mul3A_18, 8 : i32
      %get3A = arith.index_cast %multiple_of3A : i32 to index
      %get3A_19 = tpu.vector_load %arg8[%get3A] {strides = array<i32>} : memref<10000xi32, #tpu.memory_space<vmem>>, vector<16xi32>,
      %get3A_20 = arith.index_cast %multiple_of3A : i32 to index
      %get3A_21 = tpu.vector_load %arg9[%get3A_20] {strides = array<i32>} : memref<10000xi32, #tpu.memory_space<vmem>>, vector<16xi32>,
      %gather3A = tpu.vector_load_idx %arg10[%get3A_19] : memref<10240xf32, #tpu.memory_space<vmem>>[vector<16xi32>], vector<16xf32>,
      tpu.vector_store_idx %arg12[%get3A_21], %gather3A {add = true} : memref<10240xf32, #tpu.memory_space<vmem>>[vector<16xi32>], vector<16xf32>,
      %gather3A_22 = tpu.vector_load_idx %arg11[%get3A_19] : memref<10240xf32, #tpu.memory_space<vmem>>[vector<16xi32>], vector<16xf32>,
      tpu.vector_store_idx %arg13[%get3A_21], %gather3A_22 {add = true} : memref<10240xf32, #tpu.memory_space<vmem>>[vector<16xi32>], vector<16xf32>,
      %scan3A_23 = arith.constant 0 : i32
      scf.yield %scan3A_23 : i32
    }
    %scan3A_14 = arith.constant 625 : i32
    "tpu.region"() ({
      %run_scoped3A = tpu.sem_alloc : memref<!tpu.dma_semaphore, #tpu.memory_space<semaphore_mem>>
      %dma_start3A = arith.constant 0 : i32
      %dma_start3A_15 = tpu.memref_slice %arg6[%add3A, %dma_start3A] : memref<32x10240xf32, #tpu.memory_space<hbm>> -> memref<1x10240xf32, #tpu.memory_space<hbm>>
      %dma_start3A_16 = tpu.memref_squeeze %dma_start3A_15 : memref<1x10240xf32, #tpu.memory_space<hbm>> -> memref<10240xf32, #tpu.memory_space<hbm>>
      %dma_start3A_17 = arith.constant 0 : i32
      %dma_start3A_18 = tpu.memref_slice %arg6[%add3A, %dma_start3A_17] : memref<32x10240xf32, #tpu.memory_space<hbm>> -> memref<1x10240xf32, #tpu.memory_space<hbm>>
      %dma_start3A_19 = tpu.memref_squeeze %dma_start3A_18 : memref<1x10240xf32, #tpu.memory_space<hbm>> -> memref<10240xf32, #tpu.memory_space<hbm>>
      tpu.enqueue_dma source(%arg12 : memref<10240xf32, #tpu.memory_space<vmem>>) target(%dma_start3A_19 : memref<10240xf32, #tpu.memory_space<hbm>>) target_semaphore(%run_scoped3A : memref<!tpu.dma_semaphore, #tpu.memory_space<semaphore_mem>>)
      %dma_wait3A = arith.constant 0 : i32
      %dma_wait3A_20 = tpu.memref_slice %arg6[%add3A, %dma_wait3A] : memref<32x10240xf32, #tpu.memory_space<hbm>> -> memref<1x10240xf32, #tpu.memory_space<hbm>>
      %dma_wait3A_21 = tpu.memref_squeeze %dma_wait3A_20 : memref<1x10240xf32, #tpu.memory_space<hbm>> -> memref<10240xf32, #tpu.memory_space<hbm>>
      %dma_wait3A_22 = arith.constant 0 : i32
      %dma_wait3A_23 = tpu.memref_slice %arg6[%add3A, %dma_wait3A_22] : memref<32x10240xf32, #tpu.memory_space<hbm>> -> memref<1x10240xf32, #tpu.memory_space<hbm>>
      %dma_wait3A_24 = tpu.memref_squeeze %dma_wait3A_23 : memref<1x10240xf32, #tpu.memory_space<hbm>> -> memref<10240xf32, #tpu.memory_space<hbm>>
      tpu.wait_dma2 semaphore(%run_scoped3A : memref<!tpu.dma_semaphore, #tpu.memory_space<semaphore_mem>>) src(%arg12 : memref<10240xf32, #tpu.memory_space<vmem>>) dst(%dma_wait3A_24 : memref<10240xf32, #tpu.memory_space<hbm>>)
      tpu.yield
    }) : () -> ()
    "tpu.region"() ({
      %run_scoped3A = tpu.sem_alloc : memref<!tpu.dma_semaphore, #tpu.memory_space<semaphore_mem>>
      %dma_start3A = arith.constant 0 : i32
      %dma_start3A_15 = tpu.memref_slice %arg7[%add3A, %dma_start3A] : memref<32x10240xf32, #tpu.memory_space<hbm>> -> memref<1x10240xf32, #tpu.memory_space<hbm>>
      %dma_start3A_16 = tpu.memref_squeeze %dma_start3A_15 : memref<1x10240xf32, #tpu.memory_space<hbm>> -> memref<10240xf32, #tpu.memory_space<hbm>>
      %dma_start3A_17 = arith.constant 0 : i32
      %dma_start3A_18 = tpu.memref_slice %arg7[%add3A, %dma_start3A_17] : memref<32x10240xf32, #tpu.memory_space<hbm>> -> memref<1x10240xf32, #tpu.memory_space<hbm>>
      %dma_start3A_19 = tpu.memref_squeeze %dma_start3A_18 : memref<1x10240xf32, #tpu.memory_space<hbm>> -> memref<10240xf32, #tpu.memory_space<hbm>>
      tpu.enqueue_dma source(%arg13 : memref<10240xf32, #tpu.memory_space<vmem>>) target(%dma_start3A_19 : memref<10240xf32, #tpu.memory_space<hbm>>) target_semaphore(%run_scoped3A : memref<!tpu.dma_semaphore, #tpu.memory_space<semaphore_mem>>)
      %dma_wait3A = arith.constant 0 : i32
      %dma_wait3A_20 = tpu.memref_slice %arg7[%add3A, %dma_wait3A] : memref<32x10240xf32, #tpu.memory_space<hbm>> -> memref<1x10240xf32, #tpu.memory_space<hbm>>
      %dma_wait3A_21 = tpu.memref_squeeze %dma_wait3A_20 : memref<1x10240xf32, #tpu.memory_space<hbm>> -> memref<10240xf32, #tpu.memory_space<hbm>>
      %dma_wait3A_22 = arith.constant 0 : i32
      %dma_wait3A_23 = tpu.memref_slice %arg7[%add3A, %dma_wait3A_22] : memref<32x10240xf32, #tpu.memory_space<hbm>> -> memref<1x10240xf32, #tpu.memory_space<hbm>>
      %dma_wait3A_24 = tpu.memref_squeeze %dma_wait3A_23 : memref<1x10240xf32, #tpu.memory_space<hbm>> -> memref<10240xf32, #tpu.memory_space<hbm>>
      tpu.wait_dma2 semaphore(%run_scoped3A : memref<!tpu.dma_semaphore, #tpu.memory_space<semaphore_mem>>) src(%arg13 : memref<10240xf32, #tpu.memory_space<vmem>>) dst(%dma_wait3A_24 : memref<10240xf32, #tpu.memory_space<hbm>>)
      tpu.yield
    }) : () -> ()
    return
  }
}

#map = affine_map<(d0, d1) -> (0, 0)>
#map1 = affine_map<(d0, d1) -> (0)>
module attributes {stable_mosaic.version = 14 : i64} {
  func.func @_sc_scalar_sum(%arg0: i32, %arg1: i32, %arg2: memref<32x10000xi32, #tpu.memory_space<hbm>>, %arg3: memref<32x10000xi32, #tpu.memory_space<hbm>>, %arg4: memref<10240xf32, #tpu.memory_space<hbm>>, %arg5: memref<10240xf32, #tpu.memory_space<hbm>>, %arg6: memref<32x10240xf32, #tpu.memory_space<hbm>>, %arg7: memref<32x10240xf32, #tpu.memory_space<hbm>>, %arg8: memref<10000xi32, #tpu.memory_space<vmem>>, %arg9: memref<10000xi32, #tpu.memory_space<vmem>>, %arg10: memref<10240xf32, #tpu.memory_space<vmem>>, %arg11: memref<10240xf32, #tpu.memory_space<vmem>>, %arg12: memref<10240xf32, #tpu.memory_space<vmem>>, %arg13: memref<10240xf32, #tpu.memory_space<vmem>>) attributes {dimension_semantics = [#tpu.dimension_semantics<core_parallel>, #tpu.dimension_semantics<subcore_parallel>], iteration_bounds = array<i64: 2, 16>, scalar_prefetch = 0 : i64, scratch_operands = 6 : i64, tpu.core_type = #tpu.core_type<sc_vector_subcore>, window_params = [{transform_indices = #map}, {transform_indices = #map}, {transform_indices = #map1}, {transform_indices = #map1}, {transform_indices = #map}, {transform_indices = #map}]} {
    %mul3A = arith.constant 16 : i32
    %mul3A_0 = arith.muli %arg0, %mul3A : i32
    %add3A = arith.addi %mul3A_0, %arg1 : i32
    "tpu.region"() ({
      %run_scoped3A = tpu.sem_alloc : memref<!tpu.dma_semaphore, #tpu.memory_space<semaphore_mem>>
      %dma_start3A = arith.constant 0 : i32
      %dma_start3A_15 = tpu.memref_slice %arg2[%add3A, %dma_start3A] : memref<32x10000xi32, #tpu.memory_space<hbm>> -> memref<1x10000xi32, #tpu.memory_space<hbm>>
      %dma_start3A_16 = tpu.memref_squeeze %dma_start3A_15 : memref<1x10000xi32, #tpu.memory_space<hbm>> -> memref<10000xi32, #tpu.memory_space<hbm>>
      %dma_start3A_17 = arith.constant 0 : i32
      %dma_start3A_18 = tpu.memref_slice %arg2[%add3A, %dma_start3A_17] : memref<32x10000xi32, #tpu.memory_space<hbm>> -> memref<1x10000xi32, #tpu.memory_space<hbm>>
      %dma_start3A_19 = tpu.memref_squeeze %dma_start3A_18 : memref<1x10000xi32, #tpu.memory_space<hbm>> -> memref<10000xi32, #tpu.memory_space<hbm>>
      tpu.enqueue_dma source(%dma_start3A_19 : memref<10000xi32, #tpu.memory_space<hbm>>) target(%arg8 : memref<10000xi32, #tpu.memory_space<vmem>>) target_semaphore(%run_scoped3A : memref<!tpu.dma_semaphore, #tpu.memory_space<semaphore_mem>>)
      %dma_wait3A = arith.constant 0 : i32
      %dma_wait3A_20 = tpu.memref_slice %arg2[%add3A, %dma_wait3A] : memref<32x10000xi32, #tpu.memory_space<hbm>> -> memref<1x10000xi32, #tpu.memory_space<hbm>>
      %dma_wait3A_21 = tpu.memref_squeeze %dma_wait3A_20 : memref<1x10000xi32, #tpu.memory_space<hbm>> -> memref<10000xi32, #tpu.memory_space<hbm>>
      %dma_wait3A_22 = arith.constant 0 : i32
      %dma_wait3A_23 = tpu.memref_slice %arg2[%add3A, %dma_wait3A_22] : memref<32x10000xi32, #tpu.memory_space<hbm>> -> memref<1x10000xi32, #tpu.memory_space<hbm>>
      %dma_wait3A_24 = tpu.memref_squeeze %dma_wait3A_23 : memref<1x10000xi32, #tpu.memory_space<hbm>> -> memref<10000xi32, #tpu.memory_space<hbm>>
      tpu.wait_dma2 semaphore(%run_scoped3A : memref<!tpu.dma_semaphore, #tpu.memory_space<semaphore_mem>>) src(%dma_wait3A_24 : memref<10000xi32, #tpu.memory_space<hbm>>) dst(%arg8 : memref<10000xi32, #tpu.memory_space<vmem>>)
      tpu.yield
    }) : () -> ()
    "tpu.region"() ({
      %run_scoped3A = tpu.sem_alloc : memref<!tpu.dma_semaphore, #tpu.memory_space<semaphore_mem>>
      %dma_start3A = arith.constant 0 : i32
      %dma_start3A_15 = tpu.memref_slice %arg3[%add3A, %dma_start3A] : memref<32x10000xi32, #tpu.memory_space<hbm>> -> memref<1x10000xi32, #tpu.memory_space<hbm>>
      %dma_start3A_16 = tpu.memref_squeeze %dma_start3A_15 : memref<1x10000xi32, #tpu.memory_space<hbm>> -> memref<10000xi32, #tpu.memory_space<hbm>>
      %dma_start3A_17 = arith.constant 0 : i32
      %dma_start3A_18 = tpu.memref_slice %arg3[%add3A, %dma_start3A_17] : memref<32x10000xi32, #tpu.memory_space<hbm>> -> memref<1x10000xi32, #tpu.memory_space<hbm>>
      %dma_start3A_19 = tpu.memref_squeeze %dma_start3A_18 : memref<1x10000xi32, #tpu.memory_space<hbm>> -> memref<10000xi32, #tpu.memory_space<hbm>>
      tpu.enqueue_dma source(%dma_start3A_19 : memref<10000xi32, #tpu.memory_space<hbm>>) target(%arg9 : memref<10000xi32, #tpu.memory_space<vmem>>) target_semaphore(%run_scoped3A : memref<!tpu.dma_semaphore, #tpu.memory_space<semaphore_mem>>)
      %dma_wait3A = arith.constant 0 : i32
      %dma_wait3A_20 = tpu.memref_slice %arg3[%add3A, %dma_wait3A] : memref<32x10000xi32, #tpu.memory_space<hbm>> -> memref<1x10000xi32, #tpu.memory_space<hbm>>
      %dma_wait3A_21 = tpu.memref_squeeze %dma_wait3A_20 : memref<1x10000xi32, #tpu.memory_space<hbm>> -> memref<10000xi32, #tpu.memory_space<hbm>>
      %dma_wait3A_22 = arith.constant 0 : i32
      %dma_wait3A_23 = tpu.memref_slice %arg3[%add3A, %dma_wait3A_22] : memref<32x10000xi32, #tpu.memory_space<hbm>> -> memref<1x10000xi32, #tpu.memory_space<hbm>>
      %dma_wait3A_24 = tpu.memref_squeeze %dma_wait3A_23 : memref<1x10000xi32, #tpu.memory_space<hbm>> -> memref<10000xi32, #tpu.memory_space<hbm>>
      tpu.wait_dma2 semaphore(%run_scoped3A : memref<!tpu.dma_semaphore, #tpu.memory_space<semaphore_mem>>) src(%dma_wait3A_24 : memref<10000xi32, #tpu.memory_space<hbm>>) dst(%arg9 : memref<10000xi32, #tpu.memory_space<vmem>>)
      tpu.yield
    }) : () -> ()
    "tpu.region"() ({
      %run_scoped3A = tpu.sem_alloc : memref<!tpu.dma_semaphore, #tpu.memory_space<semaphore_mem>>
      tpu.enqueue_dma source(%arg4 : memref<10240xf32, #tpu.memory_space<hbm>>) target(%arg10 : memref<10240xf32, #tpu.memory_space<vmem>>) target_semaphore(%run_scoped3A : memref<!tpu.dma_semaphore, #tpu.memory_space<semaphore_mem>>)
      tpu.wait_dma2 semaphore(%run_scoped3A : memref<!tpu.dma_semaphore, #tpu.memory_space<semaphore_mem>>) src(%arg4 : memref<10240xf32, #tpu.memory_space<hbm>>) dst(%arg10 : memref<10240xf32, #tpu.memory_space<vmem>>)
      tpu.yield
    }) : () -> ()
    "tpu.region"() ({
      %run_scoped3A = tpu.sem_alloc : memref<!tpu.dma_semaphore, #tpu.memory_space<semaphore_mem>>
      tpu.enqueue_dma source(%arg5 : memref<10240xf32, #tpu.memory_space<hbm>>) target(%arg11 : memref<10240xf32, #tpu.memory_space<vmem>>) target_semaphore(%run_scoped3A : memref<!tpu.dma_semaphore, #tpu.memory_space<semaphore_mem>>)
      tpu.wait_dma2 semaphore(%run_scoped3A : memref<!tpu.dma_semaphore, #tpu.memory_space<semaphore_mem>>) src(%arg5 : memref<10240xf32, #tpu.memory_space<hbm>>) dst(%arg11 : memref<10240xf32, #tpu.memory_space<vmem>>)
      tpu.yield
    }) : () -> ()
    %broadcast_in_dim3A = arith.constant 0.000000e+00 : f32
    %broadcast_in_dim3A_1 = vector.broadcast %broadcast_in_dim3A : f32 to vector<16xf32>
    %scan3A = arith.constant 0 : i32
    %scan3A_2 = arith.constant 0 : i32
    %scan3A_3 = arith.constant 640 : i32
    %scan3A_4 = arith.addi %scan3A_2, %scan3A_3 : i32
    %scan3A_5 = arith.constant 1 : i32
    %scan3A_6 = scf.for %scan3A_15 = %scan3A_2 to %scan3A_4 step %scan3A_5 iter_args(%scan3A_16 = %scan3A) -> (i32)  : i32 {
      %mul3A_17 = arith.constant 16 : i32
      %mul3A_18 = arith.muli %scan3A_15, %mul3A_17 : i32
      %swap3A = arith.index_cast %mul3A_18 : i32 to index
      %swap3A_19 = tpu.vector_load %arg12[%swap3A] {strides = array<i32>} : memref<10240xf32, #tpu.memory_space<vmem>>, vector<16xf32>,
      tpu.vector_store %arg12[%swap3A], %broadcast_in_dim3A_1 {strides = array<i32>} : memref<10240xf32, #tpu.memory_space<vmem>>, vector<16xf32>,
      %mul3A_20 = arith.constant 16 : i32
      %mul3A_21 = arith.muli %scan3A_15, %mul3A_20 : i32
      %swap3A_22 = arith.index_cast %mul3A_21 : i32 to index
      %swap3A_23 = tpu.vector_load %arg13[%swap3A_22] {strides = array<i32>} : memref<10240xf32, #tpu.memory_space<vmem>>, vector<16xf32>,
      tpu.vector_store %arg13[%swap3A_22], %broadcast_in_dim3A_1 {strides = array<i32>} : memref<10240xf32, #tpu.memory_space<vmem>>, vector<16xf32>,
      %scan3A_24 = arith.constant 0 : i32
      scf.yield %scan3A_24 : i32
    }
    %scan3A_7 = arith.constant 640 : i32
    %scan3A_8 = arith.constant 0 : i32
    %scan3A_9 = arith.constant 0 : i32
    %scan3A_10 = arith.constant 625 : i32
    %scan3A_11 = arith.addi %scan3A_9, %scan3A_10 : i32
    %scan3A_12 = arith.constant 1 : i32
    %scan3A_13 = scf.for %scan3A_15 = %scan3A_9 to %scan3A_11 step %scan3A_12 iter_args(%scan3A_16 = %scan3A_8) -> (i32)  : i32 {
      %mul3A_17 = arith.constant 16 : i32
      %mul3A_18 = arith.muli %scan3A_15, %mul3A_17 : i32
      %multiple_of3A = tpu.assume_multiple %mul3A_18, 8 : i32
      %get3A = arith.index_cast %multiple_of3A : i32 to index
      %get3A_19 = tpu.vector_load %arg8[%get3A] {strides = array<i32>} : memref<10000xi32, #tpu.memory_space<vmem>>, vector<16xi32>,
      %get3A_20 = arith.index_cast %multiple_of3A : i32 to index
      %get3A_21 = tpu.vector_load %arg9[%get3A_20] {strides = array<i32>} : memref<10000xi32, #tpu.memory_space<vmem>>, vector<16xi32>,
      %gather3A = tpu.vector_load_idx %arg10[%get3A_19] : memref<10240xf32, #tpu.memory_space<vmem>>[vector<16xi32>], vector<16xf32>,
      tpu.vector_store_idx %arg12[%get3A_21], %gather3A {add = true} : memref<10240xf32, #tpu.memory_space<vmem>>[vector<16xi32>], vector<16xf32>,
      %gather3A_22 = tpu.vector_load_idx %arg11[%get3A_19] : memref<10240xf32, #tpu.memory_space<vmem>>[vector<16xi32>], vector<16xf32>,
      tpu.vector_store_idx %arg13[%get3A_21], %gather3A_22 {add = true} : memref<10240xf32, #tpu.memory_space<vmem>>[vector<16xi32>], vector<16xf32>,
      %scan3A_23 = arith.constant 0 : i32
      scf.yield %scan3A_23 : i32
    }
    %scan3A_14 = arith.constant 625 : i32
    "tpu.region"() ({
      %run_scoped3A = tpu.sem_alloc : memref<!tpu.dma_semaphore, #tpu.memory_space<semaphore_mem>>
      %dma_start3A = arith.constant 0 : i32
      %dma_start3A_15 = tpu.memref_slice %arg6[%add3A, %dma_start3A] : memref<32x10240xf32, #tpu.memory_space<hbm>> -> memref<1x10240xf32, #tpu.memory_space<hbm>>
      %dma_start3A_16 = tpu.memref_squeeze %dma_start3A_15 : memref<1x10240xf32, #tpu.memory_space<hbm>> -> memref<10240xf32, #tpu.memory_space<hbm>>
      %dma_start3A_17 = arith.constant 0 : i32
      %dma_start3A_18 = tpu.memref_slice %arg6[%add3A, %dma_start3A_17] : memref<32x10240xf32, #tpu.memory_space<hbm>> -> memref<1x10240xf32, #tpu.memory_space<hbm>>
      %dma_start3A_19 = tpu.memref_squeeze %dma_start3A_18 : memref<1x10240xf32, #tpu.memory_space<hbm>> -> memref<10240xf32, #tpu.memory_space<hbm>>
      tpu.enqueue_dma source(%arg12 : memref<10240xf32, #tpu.memory_space<vmem>>) target(%dma_start3A_19 : memref<10240xf32, #tpu.memory_space<hbm>>) target_semaphore(%run_scoped3A : memref<!tpu.dma_semaphore, #tpu.memory_space<semaphore_mem>>)
      %dma_wait3A = arith.constant 0 : i32
      %dma_wait3A_20 = tpu.memref_slice %arg6[%add3A, %dma_wait3A] : memref<32x10240xf32, #tpu.memory_space<hbm>> -> memref<1x10240xf32, #tpu.memory_space<hbm>>
      %dma_wait3A_21 = tpu.memref_squeeze %dma_wait3A_20 : memref<1x10240xf32, #tpu.memory_space<hbm>> -> memref<10240xf32, #tpu.memory_space<hbm>>
      %dma_wait3A_22 = arith.constant 0 : i32
      %dma_wait3A_23 = tpu.memref_slice %arg6[%add3A, %dma_wait3A_22] : memref<32x10240xf32, #tpu.memory_space<hbm>> -> memref<1x10240xf32, #tpu.memory_space<hbm>>
      %dma_wait3A_24 = tpu.memref_squeeze %dma_wait3A_23 : memref<1x10240xf32, #tpu.memory_space<hbm>> -> memref<10240xf32, #tpu.memory_space<hbm>>
      tpu.wait_dma2 semaphore(%run_scoped3A : memref<!tpu.dma_semaphore, #tpu.memory_space<semaphore_mem>>) src(%arg12 : memref<10240xf32, #tpu.memory_space<vmem>>) dst(%dma_wait3A_24 : memref<10240xf32, #tpu.memory_space<hbm>>)
      tpu.yield
    }) : () -> ()
    "tpu.region"() ({
      %run_scoped3A = tpu.sem_alloc : memref<!tpu.dma_semaphore, #tpu.memory_space<semaphore_mem>>
      %dma_start3A = arith.constant 0 : i32
      %dma_start3A_15 = tpu.memref_slice %arg7[%add3A, %dma_start3A] : memref<32x10240xf32, #tpu.memory_space<hbm>> -> memref<1x10240xf32, #tpu.memory_space<hbm>>
      %dma_start3A_16 = tpu.memref_squeeze %dma_start3A_15 : memref<1x10240xf32, #tpu.memory_space<hbm>> -> memref<10240xf32, #tpu.memory_space<hbm>>
      %dma_start3A_17 = arith.constant 0 : i32
      %dma_start3A_18 = tpu.memref_slice %arg7[%add3A, %dma_start3A_17] : memref<32x10240xf32, #tpu.memory_space<hbm>> -> memref<1x10240xf32, #tpu.memory_space<hbm>>
      %dma_start3A_19 = tpu.memref_squeeze %dma_start3A_18 : memref<1x10240xf32, #tpu.memory_space<hbm>> -> memref<10240xf32, #tpu.memory_space<hbm>>
      tpu.enqueue_dma source(%arg13 : memref<10240xf32, #tpu.memory_space<vmem>>) target(%dma_start3A_19 : memref<10240xf32, #tpu.memory_space<hbm>>) target_semaphore(%run_scoped3A : memref<!tpu.dma_semaphore, #tpu.memory_space<semaphore_mem>>)
      %dma_wait3A = arith.constant 0 : i32
      %dma_wait3A_20 = tpu.memref_slice %arg7[%add3A, %dma_wait3A] : memref<32x10240xf32, #tpu.memory_space<hbm>> -> memref<1x10240xf32, #tpu.memory_space<hbm>>
      %dma_wait3A_21 = tpu.memref_squeeze %dma_wait3A_20 : memref<1x10240xf32, #tpu.memory_space<hbm>> -> memref<10240xf32, #tpu.memory_space<hbm>>
      %dma_wait3A_22 = arith.constant 0 : i32
      %dma_wait3A_23 = tpu.memref_slice %arg7[%add3A, %dma_wait3A_22] : memref<32x10240xf32, #tpu.memory_space<hbm>> -> memref<1x10240xf32, #tpu.memory_space<hbm>>
      %dma_wait3A_24 = tpu.memref_squeeze %dma_wait3A_23 : memref<1x10240xf32, #tpu.memory_space<hbm>> -> memref<10240xf32, #tpu.memory_space<hbm>>
      tpu.wait_dma2 semaphore(%run_scoped3A : memref<!tpu.dma_semaphore, #tpu.memory_space<semaphore_mem>>) src(%arg13 : memref<10240xf32, #tpu.memory_space<vmem>>) dst(%dma_wait3A_24 : memref<10240xf32, #tpu.memory_space<hbm>>)
      tpu.yield
    }) : () -> ()
    return
  }
}

module attributes {stable_mosaic.version = 14 : i64} {
  func.func @_tc_norm_body(%arg0: i32, %arg1: memref<1024x1xf32, #tpu.memory_space<vmem>>, %arg2: memref<32x1024xf32, #tpu.memory_space<vmem>>, %arg3: memref<1024x1xf32, #tpu.memory_space<vmem>>, %arg4: memref<1024x1xf32, #tpu.memory_space<vmem>>) attributes {dimension_semantics = [#tpu.dimension_semantics<arbitrary>], iteration_bounds = array<i64: 10>, scalar_prefetch = 0 : i64, scratch_operands = 0 : i64, tpu.core_type = #tpu.core_type<tc>, window_params = [{transform_indices = @transform_0, window_bounds = array<i64: 1024, 1>}, {transform_indices = @transform_1, window_bounds = array<i64: 32, 1024>}, {transform_indices = @transform_2, window_bounds = array<i64: 1024, 1>}, {transform_indices = @transform_3, window_bounds = array<i64: 1024, 1>}]} {
    %get3A = arith.constant 0 : index
    %get3A_0 = arith.constant 0 : index
    %get3A_1 = vector.load %arg2[%get3A, %get3A_0] : memref<32x1024xf32, #tpu.memory_space<vmem>>, vector<32x1024xf32>
    %reduce_sum3A = arith.constant dense<0.000000e+00> : vector<1024xf32>
    %reduce_sum3A_2 = vector.multi_reduction <add>, %get3A_1, %reduce_sum3A [0] : vector<32x1024xf32> to vector<1024xf32>
    %broadcast_in_dim3A = vector.shape_cast %reduce_sum3A_2 : vector<1024xf32> to vector<1024x1xf32>
    %add3A = arith.constant 1.000000e+00 : f32
    %add3A_3 = vector.broadcast %add3A : f32 to vector<1024x1xf32>
    %add3A_4 = arith.addf %broadcast_in_dim3A, %add3A_3 : vector<1024x1xf32>
    %rsqrt3A = math.rsqrt %add3A_4 : vector<1024x1xf32>
    %swap3A = arith.constant 0 : index
    %swap3A_5 = arith.constant 0 : index
    %swap3A_6 = vector.load %arg3[%swap3A, %swap3A_5] : memref<1024x1xf32, #tpu.memory_space<vmem>>, vector<1024x1xf32>
    tpu.vector_store %arg3[%swap3A, %swap3A_5], %rsqrt3A {strides = array<i32>} : memref<1024x1xf32, #tpu.memory_space<vmem>>, vector<1024x1xf32>,
    %get3A_7 = arith.constant 0 : index
    %get3A_8 = arith.constant 0 : index
    %get3A_9 = vector.load %arg1[%get3A_7, %get3A_8] : memref<1024x1xf32, #tpu.memory_space<vmem>>, vector<1024x1xf32>
    %mul3A = arith.mulf %rsqrt3A, %get3A_9 : vector<1024x1xf32>
    %swap3A_10 = arith.constant 0 : index
    %swap3A_11 = arith.constant 0 : index
    %swap3A_12 = vector.load %arg4[%swap3A_10, %swap3A_11] : memref<1024x1xf32, #tpu.memory_space<vmem>>, vector<1024x1xf32>
    tpu.vector_store %arg4[%swap3A_10, %swap3A_11], %mul3A {strides = array<i32>} : memref<1024x1xf32, #tpu.memory_space<vmem>>, vector<1024x1xf32>,
    return
  }
  func.func @transform_0(%arg0: i32) -> (i32, i32) {
    %c0_i32 = arith.constant 0 : i32
    %c0_i32_0 = arith.constant 0 : i32
    return %arg0, %c0_i32 : i32, i32
  }
  func.func @transform_1(%arg0: i32) -> (i32, i32) {
    %c0_i32 = arith.constant 0 : i32
    %c0_i32_0 = arith.constant 0 : i32
    return %c0_i32, %arg0 : i32, i32
  }
  func.func @transform_2(%arg0: i32) -> (i32, i32) {
    %c0_i32 = arith.constant 0 : i32
    %c0_i32_0 = arith.constant 0 : i32
    return %arg0, %c0_i32 : i32, i32
  }
  func.func @transform_3(%arg0: i32) -> (i32, i32) {
    %c0_i32 = arith.constant 0 : i32
    %c0_i32_0 = arith.constant 0 : i32
    return %arg0, %c0_i32 : i32, i32
  }
}

module attributes {stable_mosaic.version = 14 : i64} {
  func.func @_tc_scal_combine_body(%arg0: i32, %arg1: memref<32x1024xf32, #tpu.memory_space<vmem>>, %arg2: memref<32x1024xf32, #tpu.memory_space<vmem>>, %arg3: memref<1024x1xf32, #tpu.memory_space<vmem>>, %arg4: memref<1024x1xf32, #tpu.memory_space<vmem>>, %arg5: memref<1024x1xf32, #tpu.memory_space<vmem>>, %arg6: memref<1024x1xf32, #tpu.memory_space<vmem>>, %arg7: memref<1024x1xf32, #tpu.memory_space<vmem>>, %arg8: memref<1024x1xf32, #tpu.memory_space<vmem>>, %arg9: memref<1024x1xf32, #tpu.memory_space<vmem>>) attributes {dimension_semantics = [#tpu.dimension_semantics<arbitrary>], iteration_bounds = array<i64: 10>, scalar_prefetch = 0 : i64, scratch_operands = 0 : i64, tpu.core_type = #tpu.core_type<tc>, window_params = [{transform_indices = @transform_0, window_bounds = array<i64: 32, 1024>}, {transform_indices = @transform_1, window_bounds = array<i64: 32, 1024>}, {transform_indices = @transform_2, window_bounds = array<i64: 1024, 1>}, {transform_indices = @transform_3, window_bounds = array<i64: 1024, 1>}, {transform_indices = @transform_4, window_bounds = array<i64: 1024, 1>}, {transform_indices = @transform_5, window_bounds = array<i64: 1024, 1>}, {transform_indices = @transform_6, window_bounds = array<i64: 1024, 1>}, {transform_indices = @transform_7, window_bounds = array<i64: 1024, 1>}, {transform_indices = @transform_8, window_bounds = array<i64: 1024, 1>}]} {
    %get3A = arith.constant 0 : index
    %get3A_0 = arith.constant 0 : index
    %get3A_1 = vector.load %arg5[%get3A, %get3A_0] : memref<1024x1xf32, #tpu.memory_space<vmem>>, vector<1024x1xf32>
    %neg3A = arith.constant 0.000000e+00 : f32
    %neg3A_2 = vector.broadcast %neg3A : f32 to vector<1024x1xf32>
    %neg3A_3 = arith.subf %neg3A_2, %get3A_1 : vector<1024x1xf32>
    %get3A_4 = arith.constant 0 : index
    %get3A_5 = arith.constant 0 : index
    %get3A_6 = vector.load %arg1[%get3A_4, %get3A_5] : memref<32x1024xf32, #tpu.memory_space<vmem>>, vector<32x1024xf32>
    %reduce_sum3A = arith.constant dense<0.000000e+00> : vector<1024xf32>
    %reduce_sum3A_7 = vector.multi_reduction <add>, %get3A_6, %reduce_sum3A [0] : vector<32x1024xf32> to vector<1024xf32>
    %broadcast_in_dim3A = vector.shape_cast %reduce_sum3A_7 : vector<1024xf32> to vector<1024x1xf32>
    %get3A_8 = arith.constant 0 : index
    %get3A_9 = arith.constant 0 : index
    %get3A_10 = vector.load %arg3[%get3A_8, %get3A_9] : memref<1024x1xf32, #tpu.memory_space<vmem>>, vector<1024x1xf32>
    %add3A = arith.addf %broadcast_in_dim3A, %get3A_10 : vector<1024x1xf32>
    %mul3A = arith.mulf %neg3A_3, %add3A : vector<1024x1xf32>
    %neg3A_11 = arith.constant 0.000000e+00 : f32
    %neg3A_12 = vector.broadcast %neg3A_11 : f32 to vector<1024x1xf32>
    %neg3A_13 = arith.subf %neg3A_12, %get3A_1 : vector<1024x1xf32>
    %get3A_14 = arith.constant 0 : index
    %get3A_15 = arith.constant 0 : index
    %get3A_16 = vector.load %arg2[%get3A_14, %get3A_15] : memref<32x1024xf32, #tpu.memory_space<vmem>>, vector<32x1024xf32>
    %reduce_sum3A_17 = arith.constant dense<0.000000e+00> : vector<1024xf32>
    %reduce_sum3A_18 = vector.multi_reduction <add>, %get3A_16, %reduce_sum3A_17 [0] : vector<32x1024xf32> to vector<1024xf32>
    %broadcast_in_dim3A_19 = vector.shape_cast %reduce_sum3A_18 : vector<1024xf32> to vector<1024x1xf32>
    %get3A_20 = arith.constant 0 : index
    %get3A_21 = arith.constant 0 : index
    %get3A_22 = vector.load %arg4[%get3A_20, %get3A_21] : memref<1024x1xf32, #tpu.memory_space<vmem>>, vector<1024x1xf32>
    %add3A_23 = arith.addf %broadcast_in_dim3A_19, %get3A_22 : vector<1024x1xf32>
    %mul3A_24 = arith.mulf %neg3A_13, %add3A_23 : vector<1024x1xf32>
    %swap3A = arith.constant 0 : index
    %swap3A_25 = arith.constant 0 : index
    %swap3A_26 = vector.load %arg6[%swap3A, %swap3A_25] : memref<1024x1xf32, #tpu.memory_space<vmem>>, vector<1024x1xf32>
    tpu.vector_store %arg6[%swap3A, %swap3A_25], %mul3A {strides = array<i32>} : memref<1024x1xf32, #tpu.memory_space<vmem>>, vector<1024x1xf32>,
    %swap3A_27 = arith.constant 0 : index
    %swap3A_28 = arith.constant 0 : index
    %swap3A_29 = vector.load %arg7[%swap3A_27, %swap3A_28] : memref<1024x1xf32, #tpu.memory_space<vmem>>, vector<1024x1xf32>
    tpu.vector_store %arg7[%swap3A_27, %swap3A_28], %mul3A_24 {strides = array<i32>} : memref<1024x1xf32, #tpu.memory_space<vmem>>, vector<1024x1xf32>,
    %mul3A_30 = arith.mulf %get3A_1, %mul3A : vector<1024x1xf32>
    %swap3A_31 = arith.constant 0 : index
    %swap3A_32 = arith.constant 0 : index
    %swap3A_33 = vector.load %arg8[%swap3A_31, %swap3A_32] : memref<1024x1xf32, #tpu.memory_space<vmem>>, vector<1024x1xf32>
    tpu.vector_store %arg8[%swap3A_31, %swap3A_32], %mul3A_30 {strides = array<i32>} : memref<1024x1xf32, #tpu.memory_space<vmem>>, vector<1024x1xf32>,
    %mul3A_34 = arith.mulf %get3A_1, %mul3A_24 : vector<1024x1xf32>
    %swap3A_35 = arith.constant 0 : index
    %swap3A_36 = arith.constant 0 : index
    %swap3A_37 = vector.load %arg9[%swap3A_35, %swap3A_36] : memref<1024x1xf32, #tpu.memory_space<vmem>>, vector<1024x1xf32>
    tpu.vector_store %arg9[%swap3A_35, %swap3A_36], %mul3A_34 {strides = array<i32>} : memref<1024x1xf32, #tpu.memory_space<vmem>>, vector<1024x1xf32>,
    return
  }
  func.func @transform_0(%arg0: i32) -> (i32, i32) {
    %c0_i32 = arith.constant 0 : i32
    %c0_i32_0 = arith.constant 0 : i32
    return %c0_i32, %arg0 : i32, i32
  }
  func.func @transform_1(%arg0: i32) -> (i32, i32) {
    %c0_i32 = arith.constant 0 : i32
    %c0_i32_0 = arith.constant 0 : i32
    return %c0_i32, %arg0 : i32, i32
  }
  func.func @transform_2(%arg0: i32) -> (i32, i32) {
    %c0_i32 = arith.constant 0 : i32
    %c0_i32_0 = arith.constant 0 : i32
    return %arg0, %c0_i32 : i32, i32
  }
  func.func @transform_3(%arg0: i32) -> (i32, i32) {
    %c0_i32 = arith.constant 0 : i32
    %c0_i32_0 = arith.constant 0 : i32
    return %arg0, %c0_i32 : i32, i32
  }
  func.func @transform_4(%arg0: i32) -> (i32, i32) {
    %c0_i32 = arith.constant 0 : i32
    %c0_i32_0 = arith.constant 0 : i32
    return %arg0, %c0_i32 : i32, i32
  }
  func.func @transform_5(%arg0: i32) -> (i32, i32) {
    %c0_i32 = arith.constant 0 : i32
    %c0_i32_0 = arith.constant 0 : i32
    return %arg0, %c0_i32 : i32, i32
  }
  func.func @transform_6(%arg0: i32) -> (i32, i32) {
    %c0_i32 = arith.constant 0 : i32
    %c0_i32_0 = arith.constant 0 : i32
    return %arg0, %c0_i32 : i32, i32
  }
  func.func @transform_7(%arg0: i32) -> (i32, i32) {
    %c0_i32 = arith.constant 0 : i32
    %c0_i32_0 = arith.constant 0 : i32
    return %arg0, %c0_i32 : i32, i32
  }
  func.func @transform_8(%arg0: i32) -> (i32, i32) {
    %c0_i32 = arith.constant 0 : i32
    %c0_i32_0 = arith.constant 0 : i32
    return %arg0, %c0_i32 : i32, i32
  }
}

module attributes {stable_mosaic.version = 14 : i64} {
  func.func @_tc_conv1_body(%arg0: i32, %arg1: memref<32x1024xf32, #tpu.memory_space<vmem>>, %arg2: memref<32x1024xf32, #tpu.memory_space<vmem>>, %arg3: memref<1024x1xf32, #tpu.memory_space<vmem>>, %arg4: memref<1024x1xf32, #tpu.memory_space<vmem>>, %arg5: memref<1024x1xf32, #tpu.memory_space<vmem>>, %arg6: memref<1024x1xf32, #tpu.memory_space<vmem>>, %arg7: memref<1024x1xf32, #tpu.memory_space<vmem>>, %arg8: memref<1024x1xf32, #tpu.memory_space<vmem>>, %arg9: memref<1x128xf32, #tpu.memory_space<vmem>>, %arg10: memref<1x128xf32, #tpu.memory_space<vmem>>, %arg11: memref<3x128x128xf32, #tpu.memory_space<vmem>>, %arg12: memref<1x128xf32, #tpu.memory_space<vmem>>, %arg13: memref<3x128x128xf32, #tpu.memory_space<vmem>>, %arg14: memref<128x1xf32, #tpu.memory_space<vmem>>, %arg15: memref<1024x1xf32, #tpu.memory_space<vmem>>, %arg16: memref<1024x1xf32, #tpu.memory_space<vmem>>, %arg17: memref<1024x1xf32, #tpu.memory_space<vmem>>, %arg18: memref<1024x1xf32, #tpu.memory_space<vmem>>) attributes {dimension_semantics = [#tpu.dimension_semantics<arbitrary>], iteration_bounds = array<i64: 10>, scalar_prefetch = 0 : i64, scratch_operands = 0 : i64, tpu.core_type = #tpu.core_type<tc>, window_params = [{transform_indices = @transform_0, window_bounds = array<i64: 32, 1024>}, {transform_indices = @transform_1, window_bounds = array<i64: 32, 1024>}, {transform_indices = @transform_2, window_bounds = array<i64: 1024, 1>}, {transform_indices = @transform_3, window_bounds = array<i64: 1024, 1>}, {transform_indices = @transform_4, window_bounds = array<i64: 1024, 1>}, {transform_indices = @transform_5, window_bounds = array<i64: 1024, 1>}, {transform_indices = @transform_6, window_bounds = array<i64: 1024, 1>}, {transform_indices = @transform_7, window_bounds = array<i64: 1024, 1>}, {pipeline_mode = #tpu.pipeline_mode<synchronous>, transform_indices = @transform_8, window_bounds = array<i64: 1, 128>}, {pipeline_mode = #tpu.pipeline_mode<synchronous>, transform_indices = @transform_9, window_bounds = array<i64: 1, 128>}, {pipeline_mode = #tpu.pipeline_mode<synchronous>, transform_indices = @transform_10, window_bounds = array<i64: 3, 128, 128>}, {pipeline_mode = #tpu.pipeline_mode<synchronous>, transform_indices = @transform_11, window_bounds = array<i64: 1, 128>}, {pipeline_mode = #tpu.pipeline_mode<synchronous>, transform_indices = @transform_12, window_bounds = array<i64: 3, 128, 128>}, {pipeline_mode = #tpu.pipeline_mode<synchronous>, transform_indices = @transform_13, window_bounds = array<i64: 128, 1>}, {transform_indices = @transform_14, window_bounds = array<i64: 1024, 1>}, {transform_indices = @transform_15, window_bounds = array<i64: 1024, 1>}, {transform_indices = @transform_16, window_bounds = array<i64: 1024, 1>}, {transform_indices = @transform_17, window_bounds = array<i64: 1024, 1>}]} {
    %get3A = arith.constant 0 : index
    %get3A_0 = arith.constant 0 : index
    %get3A_1 = vector.load %arg6[%get3A, %get3A_0] : memref<1024x1xf32, #tpu.memory_space<vmem>>, vector<1024x1xf32>
    %get3A_2 = arith.constant 0 : index
    %get3A_3 = arith.constant 0 : index
    %get3A_4 = vector.load %arg1[%get3A_2, %get3A_3] : memref<32x1024xf32, #tpu.memory_space<vmem>>, vector<32x1024xf32>
    %reduce_sum3A = arith.constant dense<0.000000e+00> : vector<1024xf32>
    %reduce_sum3A_5 = vector.multi_reduction <add>, %get3A_4, %reduce_sum3A [0] : vector<32x1024xf32> to vector<1024xf32>
    %broadcast_in_dim3A = vector.shape_cast %reduce_sum3A_5 : vector<1024xf32> to vector<1024x1xf32>
    %get3A_6 = arith.constant 0 : index
    %get3A_7 = arith.constant 0 : index
    %get3A_8 = vector.load %arg3[%get3A_6, %get3A_7] : memref<1024x1xf32, #tpu.memory_space<vmem>>, vector<1024x1xf32>
    %add3A = arith.addf %broadcast_in_dim3A, %get3A_8 : vector<1024x1xf32>
    %mul3A = arith.mulf %get3A_1, %add3A : vector<1024x1xf32>
    %get3A_9 = arith.constant 0 : index
    %get3A_10 = arith.constant 0 : index
    %get3A_11 = vector.load %arg2[%get3A_9, %get3A_10] : memref<32x1024xf32, #tpu.memory_space<vmem>>, vector<32x1024xf32>
    %reduce_sum3A_12 = arith.constant dense<0.000000e+00> : vector<1024xf32>
    %reduce_sum3A_13 = vector.multi_reduction <add>, %get3A_11, %reduce_sum3A_12 [0] : vector<32x1024xf32> to vector<1024xf32>
    %broadcast_in_dim3A_14 = vector.shape_cast %reduce_sum3A_13 : vector<1024xf32> to vector<1024x1xf32>
    %get3A_15 = arith.constant 0 : index
    %get3A_16 = arith.constant 0 : index
    %get3A_17 = vector.load %arg4[%get3A_15, %get3A_16] : memref<1024x1xf32, #tpu.memory_space<vmem>>, vector<1024x1xf32>
    %add3A_18 = arith.addf %broadcast_in_dim3A_14, %get3A_17 : vector<1024x1xf32>
    %mul3A_19 = arith.mulf %get3A_1, %add3A_18 : vector<1024x1xf32>
    %mul3A_20 = arith.constant -2.000000e+00 : f32
    %mul3A_21 = vector.broadcast %mul3A_20 : f32 to vector<1024x1xf32>
    %mul3A_22 = arith.mulf %mul3A_21, %mul3A : vector<1024x1xf32>
    %get3A_23 = arith.constant 0 : index
    %get3A_24 = arith.constant 0 : index
    %get3A_25 = vector.load %arg5[%get3A_23, %get3A_24] : memref<1024x1xf32, #tpu.memory_space<vmem>>, vector<1024x1xf32>
    %sub3A = arith.subf %mul3A_22, %get3A_25 : vector<1024x1xf32>
    %mul3A_26 = arith.constant -2.000000e+00 : f32
    %mul3A_27 = vector.broadcast %mul3A_26 : f32 to vector<1024x1xf32>
    %mul3A_28 = arith.mulf %mul3A_27, %mul3A_19 : vector<1024x1xf32>
    %sub3A_29 = arith.constant 1.000000e+00 : f32
    %sub3A_30 = vector.broadcast %sub3A_29 : f32 to vector<1024x1xf32>
    %sub3A_31 = arith.subf %mul3A_28, %sub3A_30 : vector<1024x1xf32>
    %get3A_32 = arith.constant 0 : index
    %get3A_33 = arith.constant 0 : index
    %get3A_34 = vector.load %arg9[%get3A_32, %get3A_33] : memref<1x128xf32, #tpu.memory_space<vmem>>, vector<1x128xf32>
    %get3A_35 = arith.constant 0 : index
    %get3A_36 = arith.constant 0 : index
    %get3A_37 = vector.load %arg10[%get3A_35, %get3A_36] : memref<1x128xf32, #tpu.memory_space<vmem>>, vector<1x128xf32>
    %get3A_38 = arith.constant 0 : index
    %get3A_39 = arith.constant 0 : index
    %get3A_40 = vector.load %arg5[%get3A_38, %get3A_39] : memref<1024x1xf32, #tpu.memory_space<vmem>>, vector<1024x1xf32>
    %mul3A_41 = vector.broadcast %get3A_40 : vector<1024x1xf32> to vector<1024x128xf32>
    %mul3A_42 = vector.broadcast %get3A_34 : vector<1x128xf32> to vector<1024x128xf32>
    %mul3A_43 = arith.mulf %mul3A_41, %mul3A_42 : vector<1024x128xf32>
    %add3A_44 = vector.broadcast %get3A_37 : vector<1x128xf32> to vector<1024x128xf32>
    %add3A_45 = arith.addf %mul3A_43, %add3A_44 : vector<1024x128xf32>
    %get3A_46 = arith.constant 0 : index
    %get3A_47 = arith.constant 0 : index
    %get3A_48 = vector.load %arg7[%get3A_46, %get3A_47] : memref<1024x1xf32, #tpu.memory_space<vmem>>, vector<1024x1xf32>
    %mul3A_49 = vector.broadcast %get3A_48 : vector<1024x1xf32> to vector<1024x128xf32>
    %mul3A_50 = vector.broadcast %get3A_34 : vector<1x128xf32> to vector<1024x128xf32>
    %mul3A_51 = arith.mulf %mul3A_49, %mul3A_50 : vector<1024x128xf32>
    %get3A_52 = arith.constant 0 : index
    %get3A_53 = arith.constant 0 : index
    %get3A_54 = vector.load %arg8[%get3A_52, %get3A_53] : memref<1024x1xf32, #tpu.memory_space<vmem>>, vector<1024x1xf32>
    %mul3A_55 = vector.broadcast %get3A_54 : vector<1024x1xf32> to vector<1024x128xf32>
    %mul3A_56 = vector.broadcast %get3A_37 : vector<1x128xf32> to vector<1024x128xf32>
    %mul3A_57 = arith.mulf %mul3A_55, %mul3A_56 : vector<1024x128xf32>
    %add3A_58 = arith.addf %mul3A_51, %mul3A_57 : vector<1024x128xf32>
    %mul3A_59 = vector.broadcast %sub3A : vector<1024x1xf32> to vector<1024x128xf32>
    %mul3A_60 = vector.broadcast %get3A_34 : vector<1x128xf32> to vector<1024x128xf32>
    %mul3A_61 = arith.mulf %mul3A_59, %mul3A_60 : vector<1024x128xf32>
    %mul3A_62 = vector.broadcast %sub3A_31 : vector<1024x1xf32> to vector<1024x128xf32>
    %mul3A_63 = vector.broadcast %get3A_37 : vector<1x128xf32> to vector<1024x128xf32>
    %mul3A_64 = arith.mulf %mul3A_62, %mul3A_63 : vector<1024x128xf32>
    %add3A_65 = arith.addf %mul3A_61, %mul3A_64 : vector<1024x128xf32>
    %get3A_66 = arith.constant 0 : index
    %get3A_67 = arith.constant 0 : index
    %get3A_68 = arith.constant 0 : index
    %get3A_69 = vector.load %arg11[%get3A_66, %get3A_67, %get3A_68] : memref<3x128x128xf32, #tpu.memory_space<vmem>>, vector<1x128x128xf32>
    %get3A_70 = vector.shape_cast %get3A_69 : vector<1x128x128xf32> to vector<128x128xf32>
    %dot_general3A = arith.constant dense<0.000000e+00> : vector<1024x128xf32>
    %dot_general3A_71 = tpu.matmul %add3A_45, %get3A_70, %dot_general3A {dimension_numbers = #tpu.dot_dimension_numbers<[1], [0], [0], [1], [0, 0, 1, 1], [], []>, transpose_lhs_hint = false} : vector<1024x128xf32>, vector<128x128xf32>, vector<1024x128xf32> -> vector<1024x128xf32>
    %get3A_72 = arith.constant 1 : index
    %get3A_73 = arith.constant 0 : index
    %get3A_74 = arith.constant 0 : index
    %get3A_75 = vector.load %arg11[%get3A_72, %get3A_73, %get3A_74] : memref<3x128x128xf32, #tpu.memory_space<vmem>>, vector<1x128x128xf32>
    %get3A_76 = vector.shape_cast %get3A_75 : vector<1x128x128xf32> to vector<128x128xf32>
    %dot_general3A_77 = arith.constant dense<0.000000e+00> : vector<1024x128xf32>
    %dot_general3A_78 = tpu.matmul %add3A_58, %get3A_76, %dot_general3A_77 {dimension_numbers = #tpu.dot_dimension_numbers<[1], [0], [0], [1], [0, 0, 1, 1], [], []>, transpose_lhs_hint = false} : vector<1024x128xf32>, vector<128x128xf32>, vector<1024x128xf32> -> vector<1024x128xf32>
    %add3A_79 = arith.addf %dot_general3A_71, %dot_general3A_78 : vector<1024x128xf32>
    %get3A_80 = arith.constant 2 : index
    %get3A_81 = arith.constant 0 : index
    %get3A_82 = arith.constant 0 : index
    %get3A_83 = vector.load %arg11[%get3A_80, %get3A_81, %get3A_82] : memref<3x128x128xf32, #tpu.memory_space<vmem>>, vector<1x128x128xf32>
    %get3A_84 = vector.shape_cast %get3A_83 : vector<1x128x128xf32> to vector<128x128xf32>
    %dot_general3A_85 = arith.constant dense<0.000000e+00> : vector<1024x128xf32>
    %dot_general3A_86 = tpu.matmul %add3A_65, %get3A_84, %dot_general3A_85 {dimension_numbers = #tpu.dot_dimension_numbers<[1], [0], [0], [1], [0, 0, 1, 1], [], []>, transpose_lhs_hint = false} : vector<1024x128xf32>, vector<128x128xf32>, vector<1024x128xf32> -> vector<1024x128xf32>
    %add3A_87 = arith.addf %add3A_79, %dot_general3A_86 : vector<1024x128xf32>
    %get3A_88 = arith.constant 0 : index
    %get3A_89 = arith.constant 0 : index
    %get3A_90 = vector.load %arg12[%get3A_88, %get3A_89] : memref<1x128xf32, #tpu.memory_space<vmem>>, vector<1x128xf32>
    %add3A_91 = vector.broadcast %get3A_90 : vector<1x128xf32> to vector<1024x128xf32>
    %add3A_92 = arith.addf %add3A_87, %add3A_91 : vector<1024x128xf32>
    %ge3A = arith.constant 0.000000e+00 : f32
    %ge3A_93 = vector.broadcast %ge3A : f32 to vector<1024x128xf32>
    %ge3A_94 = arith.cmpf oge, %add3A_92, %ge3A_93 : vector<1024x128xf32>
    %mul3A_95 = arith.constant 0.00999999977 : f32
    %mul3A_96 = vector.broadcast %mul3A_95 : f32 to vector<1024x128xf32>
    %mul3A_97 = arith.mulf %mul3A_96, %add3A_92 : vector<1024x128xf32>
    %select_n3A = arith.select %ge3A_94, %add3A_92, %mul3A_97 : vector<1024x128xi1>, vector<1024x128xf32>
    %get3A_98 = arith.constant 0 : index
    %get3A_99 = arith.constant 0 : index
    %get3A_100 = vector.load %arg14[%get3A_98, %get3A_99] : memref<128x1xf32, #tpu.memory_space<vmem>>, vector<128x1xf32>
    %get3A_101 = arith.constant 0 : index
    %get3A_102 = arith.constant 0 : index
    %get3A_103 = arith.constant 0 : index
    %get3A_104 = vector.load %arg13[%get3A_101, %get3A_102, %get3A_103] : memref<3x128x128xf32, #tpu.memory_space<vmem>>, vector<1x128x128xf32>
    %get3A_105 = vector.shape_cast %get3A_104 : vector<1x128x128xf32> to vector<128x128xf32>
    %dot_general3A_106 = arith.constant dense<0.000000e+00> : vector<1024x128xf32>
    %dot_general3A_107 = tpu.matmul %select_n3A, %get3A_105, %dot_general3A_106 {dimension_numbers = #tpu.dot_dimension_numbers<[1], [0], [0], [1], [0, 0, 1, 1], [], []>, transpose_lhs_hint = false} : vector<1024x128xf32>, vector<128x128xf32>, vector<1024x128xf32> -> vector<1024x128xf32>
    %dot_general3A_108 = arith.constant dense<0.000000e+00> : vector<1024x1xf32>
    %dot_general3A_109 = tpu.matmul %dot_general3A_107, %get3A_100, %dot_general3A_108 {dimension_numbers = #tpu.dot_dimension_numbers<[1], [0], [0], [1], [0, 0, 1, 1], [], []>, transpose_lhs_hint = false} : vector<1024x128xf32>, vector<128x1xf32>, vector<1024x1xf32> -> vector<1024x1xf32>
    %swap3A = arith.constant 0 : index
    %swap3A_110 = arith.constant 0 : index
    %swap3A_111 = vector.load %arg15[%swap3A, %swap3A_110] : memref<1024x1xf32, #tpu.memory_space<vmem>>, vector<1024x1xf32>
    tpu.vector_store %arg15[%swap3A, %swap3A_110], %dot_general3A_109 {strides = array<i32>} : memref<1024x1xf32, #tpu.memory_space<vmem>>, vector<1024x1xf32>,
    %get3A_112 = arith.constant 1 : index
    %get3A_113 = arith.constant 0 : index
    %get3A_114 = arith.constant 0 : index
    %get3A_115 = vector.load %arg13[%get3A_112, %get3A_113, %get3A_114] : memref<3x128x128xf32, #tpu.memory_space<vmem>>, vector<1x128x128xf32>
    %get3A_116 = vector.shape_cast %get3A_115 : vector<1x128x128xf32> to vector<128x128xf32>
    %dot_general3A_117 = arith.constant dense<0.000000e+00> : vector<128x1xf32>
    %dot_general3A_118 = tpu.matmul %get3A_116, %get3A_100, %dot_general3A_117 {dimension_numbers = #tpu.dot_dimension_numbers<[1], [0], [0], [1], [0, 0, 1, 1], [], []>, precision = #tpu.contract_precision<fp32>, transpose_lhs_hint = false} : vector<128x128xf32>, vector<128x1xf32>, vector<128x1xf32> -> vector<128x1xf32>
    %get3A_119 = arith.constant 2 : index
    %get3A_120 = arith.constant 0 : index
    %get3A_121 = arith.constant 0 : index
    %get3A_122 = vector.load %arg13[%get3A_119, %get3A_120, %get3A_121] : memref<3x128x128xf32, #tpu.memory_space<vmem>>, vector<1x128x128xf32>
    %get3A_123 = vector.shape_cast %get3A_122 : vector<1x128x128xf32> to vector<128x128xf32>
    %dot_general3A_124 = arith.constant dense<0.000000e+00> : vector<128x1xf32>
    %dot_general3A_125 = tpu.matmul %get3A_123, %get3A_100, %dot_general3A_124 {dimension_numbers = #tpu.dot_dimension_numbers<[1], [0], [0], [1], [0, 0, 1, 1], [], []>, precision = #tpu.contract_precision<fp32>, transpose_lhs_hint = false} : vector<128x128xf32>, vector<128x1xf32>, vector<128x1xf32> -> vector<128x1xf32>
    %dot_general3A_126 = arith.constant dense<0.000000e+00> : vector<1024x1xf32>
    %dot_general3A_127 = tpu.matmul %select_n3A, %dot_general3A_118, %dot_general3A_126 {dimension_numbers = #tpu.dot_dimension_numbers<[1], [0], [0], [1], [0, 0, 1, 1], [], []>, precision = #tpu.contract_precision<fp32>, transpose_lhs_hint = false} : vector<1024x128xf32>, vector<128x1xf32>, vector<1024x1xf32> -> vector<1024x1xf32>
    %dot_general3A_128 = arith.constant dense<0.000000e+00> : vector<1024x1xf32>
    %dot_general3A_129 = tpu.matmul %select_n3A, %dot_general3A_125, %dot_general3A_128 {dimension_numbers = #tpu.dot_dimension_numbers<[1], [0], [0], [1], [0, 0, 1, 1], [], []>, precision = #tpu.contract_precision<fp32>, transpose_lhs_hint = false} : vector<1024x128xf32>, vector<128x1xf32>, vector<1024x1xf32> -> vector<1024x1xf32>
    %swap3A_130 = arith.constant 0 : index
    %swap3A_131 = arith.constant 0 : index
    %swap3A_132 = vector.load %arg16[%swap3A_130, %swap3A_131] : memref<1024x1xf32, #tpu.memory_space<vmem>>, vector<1024x1xf32>
    tpu.vector_store %arg16[%swap3A_130, %swap3A_131], %dot_general3A_129 {strides = array<i32>} : memref<1024x1xf32, #tpu.memory_space<vmem>>, vector<1024x1xf32>,
    %mul3A_133 = arith.mulf %get3A_1, %dot_general3A_127 : vector<1024x1xf32>
    %swap3A_134 = arith.constant 0 : index
    %swap3A_135 = arith.constant 0 : index
    %swap3A_136 = vector.load %arg17[%swap3A_134, %swap3A_135] : memref<1024x1xf32, #tpu.memory_space<vmem>>, vector<1024x1xf32>
    tpu.vector_store %arg17[%swap3A_134, %swap3A_135], %mul3A_133 {strides = array<i32>} : memref<1024x1xf32, #tpu.memory_space<vmem>>, vector<1024x1xf32>,
    %mul3A_137 = arith.mulf %get3A_1, %dot_general3A_129 : vector<1024x1xf32>
    %swap3A_138 = arith.constant 0 : index
    %swap3A_139 = arith.constant 0 : index
    %swap3A_140 = vector.load %arg18[%swap3A_138, %swap3A_139] : memref<1024x1xf32, #tpu.memory_space<vmem>>, vector<1024x1xf32>
    tpu.vector_store %arg18[%swap3A_138, %swap3A_139], %mul3A_137 {strides = array<i32>} : memref<1024x1xf32, #tpu.memory_space<vmem>>, vector<1024x1xf32>,
    return
  }
  func.func @transform_0(%arg0: i32) -> (i32, i32) {
    %c0_i32 = arith.constant 0 : i32
    %c0_i32_0 = arith.constant 0 : i32
    return %c0_i32, %arg0 : i32, i32
  }
  func.func @transform_1(%arg0: i32) -> (i32, i32) {
    %c0_i32 = arith.constant 0 : i32
    %c0_i32_0 = arith.constant 0 : i32
    return %c0_i32, %arg0 : i32, i32
  }
  func.func @transform_2(%arg0: i32) -> (i32, i32) {
    %c0_i32 = arith.constant 0 : i32
    %c0_i32_0 = arith.constant 0 : i32
    return %arg0, %c0_i32 : i32, i32
  }
  func.func @transform_3(%arg0: i32) -> (i32, i32) {
    %c0_i32 = arith.constant 0 : i32
    %c0_i32_0 = arith.constant 0 : i32
    return %arg0, %c0_i32 : i32, i32
  }
  func.func @transform_4(%arg0: i32) -> (i32, i32) {
    %c0_i32 = arith.constant 0 : i32
    %c0_i32_0 = arith.constant 0 : i32
    return %arg0, %c0_i32 : i32, i32
  }
  func.func @transform_5(%arg0: i32) -> (i32, i32) {
    %c0_i32 = arith.constant 0 : i32
    %c0_i32_0 = arith.constant 0 : i32
    return %arg0, %c0_i32 : i32, i32
  }
  func.func @transform_6(%arg0: i32) -> (i32, i32) {
    %c0_i32 = arith.constant 0 : i32
    %c0_i32_0 = arith.constant 0 : i32
    return %arg0, %c0_i32 : i32, i32
  }
  func.func @transform_7(%arg0: i32) -> (i32, i32) {
    %c0_i32 = arith.constant 0 : i32
    %c0_i32_0 = arith.constant 0 : i32
    return %arg0, %c0_i32 : i32, i32
  }
  func.func @transform_8(%arg0: i32) -> (i32, i32) {
    %c0_i32 = arith.constant 0 : i32
    %c0_i32_0 = arith.constant 0 : i32
    %c0_i32_1 = arith.constant 0 : i32
    return %c0_i32, %c0_i32_0 : i32, i32
  }
  func.func @transform_9(%arg0: i32) -> (i32, i32) {
    %c0_i32 = arith.constant 0 : i32
    %c0_i32_0 = arith.constant 0 : i32
    %c0_i32_1 = arith.constant 0 : i32
    return %c0_i32, %c0_i32_0 : i32, i32
  }
  func.func @transform_10(%arg0: i32) -> (i32, i32, i32) {
    %c0_i32 = arith.constant 0 : i32
    %c0_i32_0 = arith.constant 0 : i32
    %c0_i32_1 = arith.constant 0 : i32
    %c0_i32_2 = arith.constant 0 : i32
    return %c0_i32, %c0_i32_0, %c0_i32_1 : i32, i32, i32
  }
  func.func @transform_11(%arg0: i32) -> (i32, i32) {
    %c0_i32 = arith.constant 0 : i32
    %c0_i32_0 = arith.constant 0 : i32
    %c0_i32_1 = arith.constant 0 : i32
    return %c0_i32, %c0_i32_0 : i32, i32
  }
  func.func @transform_12(%arg0: i32) -> (i32, i32, i32) {
    %c0_i32 = arith.constant 0 : i32
    %c0_i32_0 = arith.constant 0 : i32
    %c0_i32_1 = arith.constant 0 : i32
    %c0_i32_2 = arith.constant 0 : i32
    return %c0_i32, %c0_i32_0, %c0_i32_1 : i32, i32, i32
  }
  func.func @transform_13(%arg0: i32) -> (i32, i32) {
    %c0_i32 = arith.constant 0 : i32
    %c0_i32_0 = arith.constant 0 : i32
    %c0_i32_1 = arith.constant 0 : i32
    return %c0_i32, %c0_i32_0 : i32, i32
  }
  func.func @transform_14(%arg0: i32) -> (i32, i32) {
    %c0_i32 = arith.constant 0 : i32
    %c0_i32_0 = arith.constant 0 : i32
    return %arg0, %c0_i32 : i32, i32
  }
  func.func @transform_15(%arg0: i32) -> (i32, i32) {
    %c0_i32 = arith.constant 0 : i32
    %c0_i32_0 = arith.constant 0 : i32
    return %arg0, %c0_i32 : i32, i32
  }
  func.func @transform_16(%arg0: i32) -> (i32, i32) {
    %c0_i32 = arith.constant 0 : i32
    %c0_i32_0 = arith.constant 0 : i32
    return %arg0, %c0_i32 : i32, i32
  }
  func.func @transform_17(%arg0: i32) -> (i32, i32) {
    %c0_i32 = arith.constant 0 : i32
    %c0_i32_0 = arith.constant 0 : i32
    return %arg0, %c0_i32 : i32, i32
  }
}

module attributes {stable_mosaic.version = 14 : i64} {
  func.func @_tc_zcomb_body(%arg0: i32, %arg1: memref<32x1024xf32, #tpu.memory_space<vmem>>, %arg2: memref<32x1024xf32, #tpu.memory_space<vmem>>, %arg3: memref<1024x1xf32, #tpu.memory_space<vmem>>, %arg4: memref<1024x1xf32, #tpu.memory_space<vmem>>, %arg5: memref<1024x1xf32, #tpu.memory_space<vmem>>, %arg6: memref<1024x1xf32, #tpu.memory_space<vmem>>, %arg7: memref<1024x1xf32, #tpu.memory_space<vmem>>) attributes {dimension_semantics = [#tpu.dimension_semantics<arbitrary>], iteration_bounds = array<i64: 10>, scalar_prefetch = 0 : i64, scratch_operands = 0 : i64, tpu.core_type = #tpu.core_type<tc>, window_params = [{transform_indices = @transform_0, window_bounds = array<i64: 32, 1024>}, {transform_indices = @transform_1, window_bounds = array<i64: 32, 1024>}, {transform_indices = @transform_2, window_bounds = array<i64: 1024, 1>}, {transform_indices = @transform_3, window_bounds = array<i64: 1024, 1>}, {transform_indices = @transform_4, window_bounds = array<i64: 1024, 1>}, {transform_indices = @transform_5, window_bounds = array<i64: 1024, 1>}, {transform_indices = @transform_6, window_bounds = array<i64: 1024, 1>}]} {
    %get3A = arith.constant 0 : index
    %get3A_0 = arith.constant 0 : index
    %get3A_1 = vector.load %arg5[%get3A, %get3A_0] : memref<1024x1xf32, #tpu.memory_space<vmem>>, vector<1024x1xf32>
    %neg3A = arith.constant 0.000000e+00 : f32
    %neg3A_2 = vector.broadcast %neg3A : f32 to vector<1024x1xf32>
    %neg3A_3 = arith.subf %neg3A_2, %get3A_1 : vector<1024x1xf32>
    %get3A_4 = arith.constant 0 : index
    %get3A_5 = arith.constant 0 : index
    %get3A_6 = vector.load %arg1[%get3A_4, %get3A_5] : memref<32x1024xf32, #tpu.memory_space<vmem>>, vector<32x1024xf32>
    %reduce_sum3A = arith.constant dense<0.000000e+00> : vector<1024xf32>
    %reduce_sum3A_7 = vector.multi_reduction <add>, %get3A_6, %reduce_sum3A [0] : vector<32x1024xf32> to vector<1024xf32>
    %broadcast_in_dim3A = vector.shape_cast %reduce_sum3A_7 : vector<1024xf32> to vector<1024x1xf32>
    %get3A_8 = arith.constant 0 : index
    %get3A_9 = arith.constant 0 : index
    %get3A_10 = vector.load %arg3[%get3A_8, %get3A_9] : memref<1024x1xf32, #tpu.memory_space<vmem>>, vector<1024x1xf32>
    %add3A = arith.addf %broadcast_in_dim3A, %get3A_10 : vector<1024x1xf32>
    %mul3A = arith.mulf %neg3A_3, %add3A : vector<1024x1xf32>
    %swap3A = arith.constant 0 : index
    %swap3A_11 = arith.constant 0 : index
    %swap3A_12 = vector.load %arg6[%swap3A, %swap3A_11] : memref<1024x1xf32, #tpu.memory_space<vmem>>, vector<1024x1xf32>
    tpu.vector_store %arg6[%swap3A, %swap3A_11], %mul3A {strides = array<i32>} : memref<1024x1xf32, #tpu.memory_space<vmem>>, vector<1024x1xf32>,
    %neg3A_13 = arith.constant 0.000000e+00 : f32
    %neg3A_14 = vector.broadcast %neg3A_13 : f32 to vector<1024x1xf32>
    %neg3A_15 = arith.subf %neg3A_14, %get3A_1 : vector<1024x1xf32>
    %get3A_16 = arith.constant 0 : index
    %get3A_17 = arith.constant 0 : index
    %get3A_18 = vector.load %arg2[%get3A_16, %get3A_17] : memref<32x1024xf32, #tpu.memory_space<vmem>>, vector<32x1024xf32>
    %reduce_sum3A_19 = arith.constant dense<0.000000e+00> : vector<1024xf32>
    %reduce_sum3A_20 = vector.multi_reduction <add>, %get3A_18, %reduce_sum3A_19 [0] : vector<32x1024xf32> to vector<1024xf32>
    %broadcast_in_dim3A_21 = vector.shape_cast %reduce_sum3A_20 : vector<1024xf32> to vector<1024x1xf32>
    %get3A_22 = arith.constant 0 : index
    %get3A_23 = arith.constant 0 : index
    %get3A_24 = vector.load %arg4[%get3A_22, %get3A_23] : memref<1024x1xf32, #tpu.memory_space<vmem>>, vector<1024x1xf32>
    %add3A_25 = arith.addf %broadcast_in_dim3A_21, %get3A_24 : vector<1024x1xf32>
    %mul3A_26 = arith.mulf %neg3A_15, %add3A_25 : vector<1024x1xf32>
    %mul3A_27 = arith.mulf %get3A_1, %mul3A_26 : vector<1024x1xf32>
    %swap3A_28 = arith.constant 0 : index
    %swap3A_29 = arith.constant 0 : index
    %swap3A_30 = vector.load %arg7[%swap3A_28, %swap3A_29] : memref<1024x1xf32, #tpu.memory_space<vmem>>, vector<1024x1xf32>
    tpu.vector_store %arg7[%swap3A_28, %swap3A_29], %mul3A_27 {strides = array<i32>} : memref<1024x1xf32, #tpu.memory_space<vmem>>, vector<1024x1xf32>,
    return
  }
  func.func @transform_0(%arg0: i32) -> (i32, i32) {
    %c0_i32 = arith.constant 0 : i32
    %c0_i32_0 = arith.constant 0 : i32
    return %c0_i32, %arg0 : i32, i32
  }
  func.func @transform_1(%arg0: i32) -> (i32, i32) {
    %c0_i32 = arith.constant 0 : i32
    %c0_i32_0 = arith.constant 0 : i32
    return %c0_i32, %arg0 : i32, i32
  }
  func.func @transform_2(%arg0: i32) -> (i32, i32) {
    %c0_i32 = arith.constant 0 : i32
    %c0_i32_0 = arith.constant 0 : i32
    return %arg0, %c0_i32 : i32, i32
  }
  func.func @transform_3(%arg0: i32) -> (i32, i32) {
    %c0_i32 = arith.constant 0 : i32
    %c0_i32_0 = arith.constant 0 : i32
    return %arg0, %c0_i32 : i32, i32
  }
  func.func @transform_4(%arg0: i32) -> (i32, i32) {
    %c0_i32 = arith.constant 0 : i32
    %c0_i32_0 = arith.constant 0 : i32
    return %arg0, %c0_i32 : i32, i32
  }
  func.func @transform_5(%arg0: i32) -> (i32, i32) {
    %c0_i32 = arith.constant 0 : i32
    %c0_i32_0 = arith.constant 0 : i32
    return %arg0, %c0_i32 : i32, i32
  }
  func.func @transform_6(%arg0: i32) -> (i32, i32) {
    %c0_i32 = arith.constant 0 : i32
    %c0_i32_0 = arith.constant 0 : i32
    return %arg0, %c0_i32 : i32, i32
  }
}

module attributes {stable_mosaic.version = 14 : i64} {
  func.func @_tc_logits_body(%arg0: i32, %arg1: memref<32x1024xf32, #tpu.memory_space<vmem>>, %arg2: memref<1024x1xf32, #tpu.memory_space<vmem>>, %arg3: memref<1024x1xf32, #tpu.memory_space<vmem>>, %arg4: memref<1024x1xf32, #tpu.memory_space<vmem>>, %arg5: memref<1024x1xf32, #tpu.memory_space<vmem>>, %arg6: memref<1024x1xf32, #tpu.memory_space<vmem>>, %arg7: memref<1x128xf32, #tpu.memory_space<vmem>>, %arg8: memref<128x1xf32, #tpu.memory_space<vmem>>, %arg9: memref<1x1xf32, #tpu.memory_space<vmem>>, %arg10: memref<1024x1xf32, #tpu.memory_space<vmem>>) attributes {dimension_semantics = [#tpu.dimension_semantics<arbitrary>], iteration_bounds = array<i64: 10>, scalar_prefetch = 0 : i64, scratch_operands = 0 : i64, tpu.core_type = #tpu.core_type<tc>, window_params = [{transform_indices = @transform_0, window_bounds = array<i64: 32, 1024>}, {transform_indices = @transform_1, window_bounds = array<i64: 1024, 1>}, {transform_indices = @transform_2, window_bounds = array<i64: 1024, 1>}, {transform_indices = @transform_3, window_bounds = array<i64: 1024, 1>}, {transform_indices = @transform_4, window_bounds = array<i64: 1024, 1>}, {transform_indices = @transform_5, window_bounds = array<i64: 1024, 1>}, {pipeline_mode = #tpu.pipeline_mode<synchronous>, transform_indices = @transform_6, window_bounds = array<i64: 1, 128>}, {pipeline_mode = #tpu.pipeline_mode<synchronous>, transform_indices = @transform_7, window_bounds = array<i64: 128, 1>}, {pipeline_mode = #tpu.pipeline_mode<synchronous>, transform_indices = @transform_8, window_bounds = array<i64: 1, 1>}, {transform_indices = @transform_9, window_bounds = array<i64: 1024, 1>}]} {
    %get3A = arith.constant 0 : index
    %get3A_0 = arith.constant 0 : index
    %get3A_1 = vector.load %arg3[%get3A, %get3A_0] : memref<1024x1xf32, #tpu.memory_space<vmem>>, vector<1024x1xf32>
    %get3A_2 = arith.constant 0 : index
    %get3A_3 = arith.constant 0 : index
    %get3A_4 = vector.load %arg1[%get3A_2, %get3A_3] : memref<32x1024xf32, #tpu.memory_space<vmem>>, vector<32x1024xf32>
    %reduce_sum3A = arith.constant dense<0.000000e+00> : vector<1024xf32>
    %reduce_sum3A_5 = vector.multi_reduction <add>, %get3A_4, %reduce_sum3A [0] : vector<32x1024xf32> to vector<1024xf32>
    %broadcast_in_dim3A = vector.shape_cast %reduce_sum3A_5 : vector<1024xf32> to vector<1024x1xf32>
    %get3A_6 = arith.constant 0 : index
    %get3A_7 = arith.constant 0 : index
    %get3A_8 = vector.load %arg2[%get3A_6, %get3A_7] : memref<1024x1xf32, #tpu.memory_space<vmem>>, vector<1024x1xf32>
    %add3A = arith.addf %broadcast_in_dim3A, %get3A_8 : vector<1024x1xf32>
    %mul3A = arith.mulf %get3A_1, %add3A : vector<1024x1xf32>
    %mul3A_9 = arith.constant -2.000000e+00 : f32
    %mul3A_10 = vector.broadcast %mul3A_9 : f32 to vector<1024x1xf32>
    %mul3A_11 = arith.mulf %mul3A_10, %mul3A : vector<1024x1xf32>
    %get3A_12 = arith.constant 0 : index
    %get3A_13 = arith.constant 0 : index
    %get3A_14 = vector.load %arg5[%get3A_12, %get3A_13] : memref<1024x1xf32, #tpu.memory_space<vmem>>, vector<1024x1xf32>
    %sub3A = arith.subf %mul3A_11, %get3A_14 : vector<1024x1xf32>
    %get3A_15 = arith.constant 0 : index
    %get3A_16 = arith.constant 0 : index
    %get3A_17 = vector.load %arg7[%get3A_15, %get3A_16] : memref<1x128xf32, #tpu.memory_space<vmem>>, vector<1x128xf32>
    %get3A_18 = arith.constant 0 : index
    %get3A_19 = arith.constant 0 : index
    %get3A_20 = vector.load %arg8[%get3A_18, %get3A_19] : memref<128x1xf32, #tpu.memory_space<vmem>>, vector<128x1xf32>
    %dot_general3A = arith.constant dense<0.000000e+00> : vector<1x1xf32>
    %dot_general3A_21 = tpu.matmul %get3A_17, %get3A_20, %dot_general3A {dimension_numbers = #tpu.dot_dimension_numbers<[1], [0], [0], [1], [0, 0, 1, 1], [], []>, transpose_lhs_hint = false} : vector<1x128xf32>, vector<128x1xf32>, vector<1x1xf32> -> vector<1x1xf32>
    %get3A_22 = arith.constant 0 : index
    %get3A_23 = arith.constant 0 : index
    %get3A_24 = vector.load %arg4[%get3A_22, %get3A_23] : memref<1024x1xf32, #tpu.memory_space<vmem>>, vector<1024x1xf32>
    %get3A_25 = arith.constant 0 : index
    %get3A_26 = arith.constant 0 : index
    %get3A_27 = vector.load %arg6[%get3A_25, %get3A_26] : memref<1024x1xf32, #tpu.memory_space<vmem>>, vector<1024x1xf32>
    %add3A_28 = arith.addf %get3A_24, %get3A_27 : vector<1024x1xf32>
    %add3A_29 = arith.addf %add3A_28, %sub3A : vector<1024x1xf32>
    %add3A_30 = vector.broadcast %dot_general3A_21 : vector<1x1xf32> to vector<1024x1xf32>
    %add3A_31 = arith.addf %add3A_29, %add3A_30 : vector<1024x1xf32>
    %get3A_32 = arith.constant 0 : index
    %get3A_33 = arith.constant 0 : index
    %get3A_34 = vector.load %arg9[%get3A_32, %get3A_33] : memref<1x1xf32, #tpu.memory_space<vmem>>, vector<1x1xf32>
    %add3A_35 = vector.broadcast %get3A_34 : vector<1x1xf32> to vector<1024x1xf32>
    %add3A_36 = arith.addf %add3A_31, %add3A_35 : vector<1024x1xf32>
    %swap3A = arith.constant 0 : index
    %swap3A_37 = arith.constant 0 : index
    %swap3A_38 = vector.load %arg10[%swap3A, %swap3A_37] : memref<1024x1xf32, #tpu.memory_space<vmem>>, vector<1024x1xf32>
    tpu.vector_store %arg10[%swap3A, %swap3A_37], %add3A_36 {strides = array<i32>} : memref<1024x1xf32, #tpu.memory_space<vmem>>, vector<1024x1xf32>,
    return
  }
  func.func @transform_0(%arg0: i32) -> (i32, i32) {
    %c0_i32 = arith.constant 0 : i32
    %c0_i32_0 = arith.constant 0 : i32
    return %c0_i32, %arg0 : i32, i32
  }
  func.func @transform_1(%arg0: i32) -> (i32, i32) {
    %c0_i32 = arith.constant 0 : i32
    %c0_i32_0 = arith.constant 0 : i32
    return %arg0, %c0_i32 : i32, i32
  }
  func.func @transform_2(%arg0: i32) -> (i32, i32) {
    %c0_i32 = arith.constant 0 : i32
    %c0_i32_0 = arith.constant 0 : i32
    return %arg0, %c0_i32 : i32, i32
  }
  func.func @transform_3(%arg0: i32) -> (i32, i32) {
    %c0_i32 = arith.constant 0 : i32
    %c0_i32_0 = arith.constant 0 : i32
    return %arg0, %c0_i32 : i32, i32
  }
  func.func @transform_4(%arg0: i32) -> (i32, i32) {
    %c0_i32 = arith.constant 0 : i32
    %c0_i32_0 = arith.constant 0 : i32
    return %arg0, %c0_i32 : i32, i32
  }
  func.func @transform_5(%arg0: i32) -> (i32, i32) {
    %c0_i32 = arith.constant 0 : i32
    %c0_i32_0 = arith.constant 0 : i32
    return %arg0, %c0_i32 : i32, i32
  }
  func.func @transform_6(%arg0: i32) -> (i32, i32) {
    %c0_i32 = arith.constant 0 : i32
    %c0_i32_0 = arith.constant 0 : i32
    %c0_i32_1 = arith.constant 0 : i32
    return %c0_i32, %c0_i32_0 : i32, i32
  }
  func.func @transform_7(%arg0: i32) -> (i32, i32) {
    %c0_i32 = arith.constant 0 : i32
    %c0_i32_0 = arith.constant 0 : i32
    %c0_i32_1 = arith.constant 0 : i32
    return %c0_i32, %c0_i32_0 : i32, i32
  }
  func.func @transform_8(%arg0: i32) -> (i32, i32) {
    %c0_i32 = arith.constant 0 : i32
    %c0_i32_0 = arith.constant 0 : i32
    %c0_i32_1 = arith.constant 0 : i32
    return %c0_i32, %c0_i32_0 : i32, i32
  }
  func.func @transform_9(%arg0: i32) -> (i32, i32) {
    %c0_i32 = arith.constant 0 : i32
    %c0_i32_0 = arith.constant 0 : i32
    return %arg0, %c0_i32 : i32, i32
  }
}

</mosaic_0001>

<sc_bundles>
// kernel: kernel.12.cloned.1.call-start
scs
__scs_entry_jumppad:
0x0: {  	(pc) =	sbr.rel $0x88, $3  }
0x1: {  	(tag) =	ssettag $0x0;
	lr =	simm.s32 $0x1  }
0x2: {  	[smem:$0x3F99] =	sst lr;
	_ =	strace $0xD0000000  }
0x3: {  	_ = 	snop  }
0x4: {  	_ = 	snop  }
0x5: {  	_ = 	snop  }
0x6: {  	_ = 	snop  }
0x7: {  	_ = 	snop  }
__scs_overlays_trampoline_lowered:
0x8: {  	[smem:$0x3FA8] =	sst s0  }
0x9: {  	[smem:$0x3FA9] =	sst s1  }
0xa: {  	[smem:$0x3FAA] =	sst s2  }
0xb: {  	[smem:$0x3FAB] =	sst s3  }
0xc: {  	[smem:$0x3FAC] =	sst s4  }
0xd: {  	[smem:$0x3FAD] =	sst s5  }
0xe: {  	[smem:$0x3FAE] =	sst s6  }
0xf: {  	[smem:$0x3FAF] =	sst s7  }
0x10: {  	[smem:$0x3FB0] =	sst s8  }
0x11: {  	[smem:$0x3FB1] =	sst s9;
	s0 =	simm.s32 @!p0 $0x0  }
0x12: {  	s1 =	sld [smem:$0x3F97];
	s0 =	simm.s32 @p0 $0x1  }
0x13: {  	[smem:$0x3FB2] =	sst s0;
	s0 =	simm.s32 @!p1 $0x0  }
0x14: {  	s2 =	sld [smem:$0x3F96];
	s0 =	simm.s32 @p1 $0x1  }
0x15: {  	[smem:$0x3FB3] =	sst s0;
	s0 =	simm.s32 @!p2 $0x0  }
0x16: {  	s3 =	sld [smem:$0x3FDB];
	s0 =	simm.s32 @p2 $0x1  }
0x17: {  	s4 =	simm.s32 $0x1BF5;
	[smem:$0x3FB5] =	sst s0  }
0x18: {  	s0 =	sld [smem:$0x3F98];
	_ =	swait.ge [sflag:s4], $0x0  }
0x19: {  	s7 =	sld [smem:$0x3F99]  }
0x1a: {  	s8 =	sadd.s32 $0xFFFFE003, lr  }
0x1b: {  	s9 =	sadd.s32 $0xFFFFFEF7, lr;
	s5 =	simm.s32 $0xFFFFFFFF;
	p2 =	slt.u32 s8, $0xFFFFF086  }
0x1c: {  	p1 =	slt.u32 s9, $0xF7A;
	s5 =	simm.s32 @!p2 $0x0  }
0x1d: {  	s5 =	simm.s32 @p1 $0x1;
	p0 =	seq.s32 s7, s2  }
0x1e: {  	s7 =	smul.u32 @!p0 $0xF7A, s2;
	p2 =	seq.s32 @!p0 s5, $0x0  }
0x1f: {  	s9 =	smul.u32 $0xF7A, s1;
	s8 =	simm.s32 @!p0 $0x1BF5;
	p2 =	por !p2, p0  }
0x20: {  	[sflag:s8] =	ssyncset.s32 @!p0 $0xFFFFF086;
	s6 =	sadd.s32 @!p0 s3, s7;
	s7 =	simm.s32 @!p0 $0x108  }
0x21: {  	s3 =	sadd.s32 s3, s9;
	s6 =	sadd.s32 @!p0 $0x88, s6;
	s7 =	simm.s32 @p2 $0x1082  }
0x22: {  	[simem:s7], [sflag:s8] =	dma.local @!p0 [hbm:s6], $0xF7A  }
0x23: {  	s9 =	sor.u32 $0xD0000000, s2;
	s6 =	simm.s32 $0x108;
	_ =	swait.ge @!p0 [sflag:s8], $0x0  }
0x24: {  	s3 =	sadd.s32 $0x88, s3;
	s6 =	simm.s32 @!p1 $0x1082;
	[sflag:s4] =	ssyncset.s32 $0xFFFFF086  }
0x25: {  	[simem:s6], [sflag:s4] =	dma.local [hbm:s3], $0xF7A  }
0x26: {  	[smem:$0x3F99] =	sst s1;
	(tag) =	ssettag s2;
	_ =	strace s9  }
0x27: {  	s1 =	sld [smem:$0x3FA9]  }
0x28: {  	s2 =	sld [smem:$0x3FAA]  }
0x29: {  	s4 =	sld [smem:$0x3FAC]  }
0x2a: {  	p0 =	seq.s32 s5, $0x0;
	s5 =	sld [smem:$0x3FAD]  }
0x2b: {  	s6 =	sld [smem:$0x3FAE]  }
0x2c: {  	s7 =	sld [smem:$0x3FAF]  }
0x2d: {  	s3 =	simm.s32 $0x108;
	s8 =	sld [smem:$0x3FB0]  }
0x2e: {  	s3 =	simm.s32 @!p0 $0x1082;
	s9 =	sld [smem:$0x3FB1]  }
0x2f: {  	lr =	sadd.s32 s0, s3;
	s0 =	sld [smem:$0x3FA8]  }
0x30: {  	s3 =	sld [smem:$0x3FAB]  }
0x31: {  	[smem:$0x3FB4] =	sst s10  }
0x32: {  	s10 =	sld [smem:$0x3FB2];
	_ =	sdelay $0x3  }
0x33: {  	p0 =	seq.s32 s10, $0x1;
	s10 =	sld [smem:$0x3FB4];
	_ =	sdelay $0x3  }
0x34: {  	[smem:$0x3FB4] =	sst s10  }
0x35: {  	s10 =	sld [smem:$0x3FB3];
	_ =	sdelay $0x3  }
0x36: {  	p1 =	seq.s32 s10, $0x1;
	s10 =	sld [smem:$0x3FB4];
	_ =	sdelay $0x3  }
0x37: {  	[smem:$0x3FB4] =	sst s10  }
0x38: {  	s10 =	sld [smem:$0x3FB5]  }
0x39: {  	_ = 	snop;
	(pc) =	sbr.ind lr, $3  }
0x3a: {  	_ = 	snop  }
0x3b: {  	_ = 	snop  }
0x3c: {  	p2 =	seq.s32 s10, $0x1;
	s10 =	sld [smem:$0x3FB4]  }
0x3d: {  	_ =	shalt  }
0x3e: {  	_ =	shalt  }
0x3f: {  	_ =	shalt  }
0x40: {  	_ =	shalt  }
0x41: {  	_ =	shalt  }
0x42: {  	_ =	shalt  }
0x43: {  	_ =	shalt  }
0x44: {  	_ =	shalt  }
0x45: {  	_ =	shalt  }
0x46: {  	_ =	shalt  }
0x47: {  	_ =	shalt  }
0x48: {  	_ =	shalt  }
0x49: {  	_ =	shalt  }
0x4a: {  	_ =	shalt  }
0x4b: {  	_ =	shalt  }
0x4c: {  	_ =	shalt  }
0x4d: {  	_ =	shalt  }
0x4e: {  	_ =	shalt  }
0x4f: {  	_ =	shalt  }
0x50: {  	_ =	shalt  }
0x51: {  	_ =	shalt  }
0x52: {  	_ =	shalt  }
0x53: {  	_ =	shalt  }
0x54: {  	_ =	shalt  }
0x55: {  	_ =	shalt  }
0x56: {  	_ =	shalt  }
0x57: {  	_ =	shalt  }
0x58: {  	_ =	shalt  }
0x59: {  	_ =	shalt  }
0x5a: {  	_ =	shalt  }
0x5b: {  	_ =	shalt  }
0x5c: {  	_ =	shalt  }
0x5d: {  	_ =	shalt  }
0x5e: {  	_ =	shalt  }
0x5f: {  	_ =	shalt  }
0x60: {  	_ =	shalt  }
0x61: {  	_ =	shalt  }
0x62: {  	_ =	shalt  }
0x63: {  	_ =	shalt  }
0x64: {  	_ =	shalt  }
0x65: {  	_ =	shalt  }
0x66: {  	_ =	shalt  }
0x67: {  	_ =	shalt  }
0x68: {  	_ =	shalt  }
0x69: {  	_ =	shalt  }
0x6a: {  	_ =	shalt  }
0x6b: {  	_ =	shalt  }
0x6c: {  	_ =	shalt  }
0x6d: {  	_ =	shalt  }
0x6e: {  	_ =	shalt  }
0x6f: {  	_ =	shalt  }
0x70: {  	_ =	shalt  }
0x71: {  	_ =	shalt  }
0x72: {  	_ =	shalt  }
0x73: {  	_ =	shalt  }
0x74: {  	_ =	shalt  }
0x75: {  	_ =	shalt  }
0x76: {  	_ =	shalt  }
0x77: {  	_ =	shalt  }
0x78: {  	_ =	shalt  }
0x79: {  	_ =	shalt  }
0x7a: {  	_ =	shalt  }
0x7b: {  	_ =	shalt  }
0x7c: {  	_ =	shalt  }
0x7d: {  	_ =	shalt  }
0x7e: {  	_ =	shalt  }
0x7f: {  	_ =	shalt  }
0x80: {  	_ =	shalt  }
0x81: {  	_ =	shalt  }
0x82: {  	_ =	shalt  }
0x83: {  	_ =	shalt  }
0x84: {  	_ =	shalt  }
0x85: {  	_ =	shalt  }
0x86: {  	_ =	shalt  }
0x87: {  	_ =	shalt  }
.Lfunc_end0:
.L_simem_size_0:
called_computation_lowered:
.L_overlay_start_0:
0x88: {  	s2 =	sld [smem:$0x3FD9]  }
0x89: {  	s3 =	sld [smem:$0x3FFE];
	_ =	sdelay $0x1  }
0x8a: {  	s1 =	srdreg.scid  }
0x8b: {  	s0 =	sand.u32 $0x1, s1  }
0x8c: {  	s16 =	sshll.u32 s0, $0xA;
	s2 =	sadd.s32 s3, s2  }
0x8d: {  	s2 =	sadd.s32 s2, s16  }
0x8e: {  	[smem:$0x3FC0] =	sst s2  }
0x8f: {  	_ = 	snop  }
0x90: {  	(tm) =	ssettm $0x1  }
0x91: {  	s17 =	sld [smem:$0x3FFB];
	_ =	sdelay $0x3  }
0x92: {  	_ =	strace s17  }
0x93: {  	s2 =	sld [smem:$0x3FFC];
	_ =	sdelay $0x3  }
0x94: {  	_ =	strace s2  }
0x95: {  	s2 =	sld [smem:$0x3FFD];
	_ =	sdelay $0x3  }
0x96: {  	_ =	strace s2  }
0x97: {  	_ =	strace $0x8FFFFFFF  }
0x98: {  	s18 =	sld [smem:$0x3FDB];
	_ =	sdelay $0x1  }
0x99: {  	s19 =	simm.s32 $_scs_section_size  }
0x9a: {  	s4 =	simm.s32 $_size__tile_overlayer_lowered;
	s5 =	simm.s32 $_tile_overlayer_lowered  }
0x9b: {  	s22 =	simm.s32 $0x1BFF;
	s21 =	sshll.u32 s5, $0x1;
	s2 =	sadd.s32 s19, s18  }
0x9c: {  	s6 =	simm.s32 $0x0;
	s20 =	sshll.u32 s4, $0x1;
	s4 =	sadd.s32 s21, s2  }
0x9d: {  	[timem:s6], [sflag:s22] =	dma.local [hbm:s4], s20  }
0x9e: {  	_ =	swait.ge [sflag:s22], s20  }
0x9f: {  	s3 =	ssub.s32 $0x0, s20;
	[sflag:s22] =	ssyncset.done $0x0  }
0xa0: {  	[sflag:s22] =	ssyncadd.s32 s3;
	_ =	sdelay $0x1  }
0xa1: {  	s23 =	simm.s32 $0x1B8B  }
0xa2: {  	_ =	swait.ge [sflag:s23], $0x1  }
0xa3: {  	[sflag:s23] =	ssyncset.done $0x0  }
0xa4: {  	s25 =	simm.s32 $0x1B8E;
	s24 =	sld [smem:$0x3FFE];
	[sflag:s23] =	ssyncadd.s32 $0xFFFFFFFF  }
0xa5: {  	s26 =	simm.s32 $execute0_lowered;
	[smem:$0x3FD2] =	sst s25  }
0xa6: {  	s4 =	sshll.u32 s26, $0x1;
	_ =	strace $0x80000046;
	[dreg:$0x1] =	wrdreg $0xFFFFFFFF  }
0xa7: {  	s28 =	simm.s32 $_size_execute0_lowered;
	s2 =	sadd.s32 s2, s4;
	[dreg:$0x0] =	wrdreg $0x0  }
0xa8: {  	s4 =	sshll.u32 s28, $0x1;
	[dreg:$0x2] =	wrdreg s2  }
0xa9: {  	[dreg:$0x3] =	wrdreg s4  }
0xaa: {  	[dreg:$0x4] =	wrdreg $0xC0  }
0xab: {  	_ =	task [dreg:s6], $0x5FFFF  }
0xac: {  	[dreg:$0x1] =	wrdreg $0xFFFFFFFF  }
0xad: {  	[dreg:$0x0] =	wrdreg $0x60  }
0xae: {  	[dreg:$0x2] =	wrdreg s24  }
0xaf: {  	[dreg:$0x3] =	wrdreg $0x9  }
0xb0: {  	_ =	task.clear_ibuf [dreg:s6], $0x4FFFF;
	_ =	strace $0x90000046  }
0xb1: {  	s29 =	simm.s32 $0x9;
	_ =	strace $0x80000048  }
0xb2: {  	_ =	swait.ge [sflag:s29], $0x1  }
0xb3: {  	[sflag:s29] =	ssyncadd.s32 $0xFFFFFFFF  }
0xb4: {  	_ =	strace $0x90000048  }
0xb5: {  	_ =	sfence  }
0xb6: {  	s30 =	sld [smem:$0x0];
	_ =	sdelay $0x2  }
0xb7: {  	s31 =	sshll.u32 s1, $0xD;
	s1 =	sshrl.u32 s1, $0x2  }
0xb8: {  	s3 =	sand.u32 $0x4000, s31;
	s1 =	sadd.s32 s1, s30  }
0xb9: {  	s0 =	sor.u32 s3, s0;
	s1 =	sshll.u32 s1, $0x11  }
0xba: {  	s0 =	sor.u32 s1, s0  }
0xbb: {  	s0 =	sadd.s32 $0x8F2B, s0  }
0xbc: {  	[sflag:s0] =	ssyncadd.remote.s32 $0x1  }
0xbd: {  	_ =	sfence.sel $0xFFFF  }
0xbe: {  	[dreg:$0x0] =	wrdreg $0xFFFFFFFF;
	(pc) =	sbr.abs _section_cstart, $3  }
0xbf: {  	[dreg:$0x1] =	wrdreg $0xFFFFFFFF  }
0xc0: {  	_ =	task.clear_ibuf [dreg:s6], $0x2FFFF;
	_ =	strace $0x9FFFFFFF  }
0xc1: {  	(tm) =	ssettm $0x7FFFFFFF  }
tec
execute0_lowered:
.L_overlay_start_1:
0x0: {  	(tag) =	ssettag $0x1  }
0x1: {  	s0 =	srdreg.scid  }
0x2: {  	s5 =	rddreg [dreg:$0x0];
	s3 =	sand.u32 $0x1, s0  }
0x3: {  	s2 =	simm.s32 $0x0;
	s0 =	stileid.u32;
	s1 =	sshll.u32 s3, $0x4  }
0x4: {  	s8 =	simm.s32 $0x80;
	s9 =	simm.s32 $0x400;
	s4 =	sor.u32 s0, s1  }
0x5: {  	s10 =	simm.s32 $0x0;
	[smem:$0x7FF] =	sst s2;
	s1 =	sshrl.u32 s4, $0x3  }
0x6: {  	s7 =	sshll.u32 s0, $0x7;
	s3 =	ssub.s32 $0x2, s3;
	s6 =	smul.u32 $0x14000, s1  }
0x7: {  	s7 =	sand.u32 $0x380, s7;
	s31 =	sshrl.u32 s3, $0x1;
	s4 =	smul.u32 $0x2780, s4  }
0x8: {  	s1 =	rddreg [dreg:$0x1];
	_ =	strace $0x80000047;
	s6 =	sor.u32 s7, s6  }
0x9: {  	s4 =	sadd.s32 s4, s5;
	s7 =	simm.s32 $0x13C00;
	s6 =	sshrl.u32 s6, $0x3  }
0xa: {  	s5 =	sadd.s32 s6, s5;
	s6 =	ssub.s32 s3, s31;
	s3 =	sadd.s32 $0x3600, s4  }
0xb: {  	v0 =	vimm.f32 $0.0e+00;
	v1 =	vimm.f32 $1.000000000e+00;
	s4 =	sadd.s32 $0x52600, s5;
	s5 =	smax.u32 s6, $0x1;
	s6 =	simm.s32 $0x1  }
.LBB2_1:
0xc: {  	[tilespmem:s2], [sflag:$0x1] =	stream.linear.gather [hbm4b:s3+s2], $0x13880, $0x38;
	[tilespmem:$0x16400] =	vst v63  }
0xd: {  	_ =	swait.ge [sflag:s6], $0x13880  }
0xe: {  	[sflag:s6] =	ssyncset.done $0x0  }
0xf: {  	s11 =	simm.s32 $0x0;
	[sflag:s6] =	ssyncadd.s32 $0xFFFEC780  }
.LBB2_2:
0x10: {  	p0 =	sne.s32 s11, $0x9FC0  }
.Ltmp0:
0x11: {  	_ = 	snop;
	(pc) =	sbr.rel @p0 .LBB2_2-.Ltmp0, $3  }
0x12: {  	_ =	sdelay $0x1  }
0x13: {  	s12 =	sshra.s32 s11, $0x2  }
0x14: {  	s11 =	sadd.s32 $0x40, s11;
	[tilespmem:s12+$0x13C00] =	vst v0  }
0x15: {  	s12 =	simm.s32 $0x0;
	s11 =	simm.s32 $0x200  }
.LBB2_4:
0x16: {  	p0 =	sne.s32 s11, $0x4E000;
	v2 =	vld [tilespmem:s12+$0x0];
	_ =	sdelay $0x3  }
.Ltmp1:
0x17: {  	(pc) =	sbr.rel @p0 .LBB2_4-.Ltmp1, $2  }
0x18: {  	_ =	sdelay $0x2  }
0x19: {  	s12 =	sshra.s32 s11, $0x2;
	s11 =	sadd.s32 $0x200, s11;
	[tilespmem:v2+s7+$0x0] =	vst.idx.add.f32.msk $0xffff, v1  }
0x1a: {  	v2 =	vld [tilespmem:s12+$0x0];
	_ =	sdelay $0x5  }
0x1b: {  	s10 =	sadd.s32 $0x1, s10  }
0x1c: {  	p0 =	sne.s32 s10, s5  }
.Ltmp2:
0x1d: {  	[tilespmem:v2+s7+$0x0] =	vst.idx.add.f32.msk $0xffff, v1;
	(pc) =	sbr.rel @p0 .LBB2_1-.Ltmp2, $4  }
0x1e: {  	[hbm4b:s4+s8] =	stream.strided.scatter [tilespmem:s7], [sflag:$0x1], $0x2800, s9, s8, $0x38;
	[tilespmem:$0x16400] =	vst v63  }
0x1f: {  	_ =	swait.ge [sflag:s6], $0x2800  }
0x20: {  	[sflag:s6] =	ssyncset.done $0x0  }
0x21: {  	[sflag:s6] =	ssyncadd.s32 $0xFFFFD800  }
0x22: {  	_ =	sfence.sel $0x180000  }
0x23: {  	[bflag:$0x0] =	sbarrier.arrive $0xFFFF  }
0x24: {  	p0 =	sne.s32 s0, $0x0;
	_ =	strace $0x90000047  }
0x25: {  	s0 =	sadd.s32 @!p0 $0x100000, s1;
	[bflag:$0x2] =	sbarrier.arrive $0xFFFF  }
0x26: {  	[sflag:s0] =	ssyncadd.tile.s32 @!p0 $0x1;
	_ =	shalt  }
.Lfunc_end2:
_tile_overlayer_lowered:
.L_overlay_start_2:
0x27: {  	(tag) =	ssettag $0x2  }
0x28: {  	s0 =	rddreg [dreg:$0x0];
	s2 =	stileid.u32  }
0x29: {  	s1 =	rddreg [dreg:$0x1];
	p0 =	sne.s32 s2, $0x0  }
0x2a: {  	s3 =	rddreg [dreg:$0x2];
	[bflag:$0x3] =	sbarrier.arrive $0xFFFF;
	s2 =	simm.s32 @!p0 $0x1C01  }
0x2b: {  	[timem:s3], [sflag:s2] =	dma.local @!p0 [hbm:s0], s1  }
0x2c: {  	s0 =	simm.s32 @!p0 $0x1  }
0x2d: {  	_ =	swait.ge @!p0 [sflag:s0], s1  }
0x2e: {  	s1 =	ssub.s32 @!p0 $0x0, s1;
	[sflag:s0] =	ssyncset.done @!p0 $0x0  }
0x2f: {  	[sflag:s0] =	ssyncadd.s32 @!p0 s1  }
0x30: {  	[bflag:$0x3] =	sbarrier.arrive $0xFFFF  }
0x31: {  	_ =	shalt  }

// kernel: kernel.15.cloned.1.call-start
scs
__scs_entry_jumppad:
0x0: {  	(pc) =	sbr.rel $0x88, $3  }
0x1: {  	(tag) =	ssettag $0x0;
	lr =	simm.s32 $0x1  }
0x2: {  	[smem:$0x3F99] =	sst lr;
	_ =	strace $0xD0000000  }
0x3: {  	_ = 	snop  }
0x4: {  	_ = 	snop  }
0x5: {  	_ = 	snop  }
0x6: {  	_ = 	snop  }
0x7: {  	_ = 	snop  }
__scs_overlays_trampoline_lowered:
0x8: {  	[smem:$0x3FA8] =	sst s0  }
0x9: {  	[smem:$0x3FA9] =	sst s1  }
0xa: {  	[smem:$0x3FAA] =	sst s2  }
0xb: {  	[smem:$0x3FAB] =	sst s3  }
0xc: {  	[smem:$0x3FAC] =	sst s4  }
0xd: {  	[smem:$0x3FAD] =	sst s5  }
0xe: {  	[smem:$0x3FAE] =	sst s6  }
0xf: {  	[smem:$0x3FAF] =	sst s7  }
0x10: {  	[smem:$0x3FB0] =	sst s8  }
0x11: {  	[smem:$0x3FB1] =	sst s9;
	s0 =	simm.s32 @!p0 $0x0  }
0x12: {  	s1 =	sld [smem:$0x3F97];
	s0 =	simm.s32 @p0 $0x1  }
0x13: {  	[smem:$0x3FB2] =	sst s0;
	s0 =	simm.s32 @!p1 $0x0  }
0x14: {  	s2 =	sld [smem:$0x3F96];
	s0 =	simm.s32 @p1 $0x1  }
0x15: {  	[smem:$0x3FB3] =	sst s0;
	s0 =	simm.s32 @!p2 $0x0  }
0x16: {  	s3 =	sld [smem:$0x3FDB];
	s0 =	simm.s32 @p2 $0x1  }
0x17: {  	s4 =	simm.s32 $0x1BF5;
	[smem:$0x3FB5] =	sst s0  }
0x18: {  	s0 =	sld [smem:$0x3F98];
	_ =	swait.ge [sflag:s4], $0x0  }
0x19: {  	s7 =	sld [smem:$0x3F99]  }
0x1a: {  	s8 =	sadd.s32 $0xFFFFE003, lr  }
0x1b: {  	s9 =	sadd.s32 $0xFFFFFEF7, lr;
	s5 =	simm.s32 $0xFFFFFFFF;
	p2 =	slt.u32 s8, $0xFFFFF086  }
0x1c: {  	p1 =	slt.u32 s9, $0xF7A;
	s5 =	simm.s32 @!p2 $0x0  }
0x1d: {  	s5 =	simm.s32 @p1 $0x1;
	p0 =	seq.s32 s7, s2  }
0x1e: {  	s7 =	smul.u32 @!p0 $0xF7A, s2;
	p2 =	seq.s32 @!p0 s5, $0x0  }
0x1f: {  	s9 =	smul.u32 $0xF7A, s1;
	s8 =	simm.s32 @!p0 $0x1BF5;
	p2 =	por !p2, p0  }
0x20: {  	[sflag:s8] =	ssyncset.s32 @!p0 $0xFFFFF086;
	s6 =	sadd.s32 @!p0 s3, s7;
	s7 =	simm.s32 @!p0 $0x108  }
0x21: {  	s3 =	sadd.s32 s3, s9;
	s6 =	sadd.s32 @!p0 $0x88, s6;
	s7 =	simm.s32 @p2 $0x1082  }
0x22: {  	[simem:s7], [sflag:s8] =	dma.local @!p0 [hbm:s6], $0xF7A  }
0x23: {  	s9 =	sor.u32 $0xD0000000, s2;
	s6 =	simm.s32 $0x108;
	_ =	swait.ge @!p0 [sflag:s8], $0x0  }
0x24: {  	s3 =	sadd.s32 $0x88, s3;
	s6 =	simm.s32 @!p1 $0x1082;
	[sflag:s4] =	ssyncset.s32 $0xFFFFF086  }
0x25: {  	[simem:s6], [sflag:s4] =	dma.local [hbm:s3], $0xF7A  }
0x26: {  	[smem:$0x3F99] =	sst s1;
	(tag) =	ssettag s2;
	_ =	strace s9  }
0x27: {  	s1 =	sld [smem:$0x3FA9]  }
0x28: {  	s2 =	sld [smem:$0x3FAA]  }
0x29: {  	s4 =	sld [smem:$0x3FAC]  }
0x2a: {  	p0 =	seq.s32 s5, $0x0;
	s5 =	sld [smem:$0x3FAD]  }
0x2b: {  	s6 =	sld [smem:$0x3FAE]  }
0x2c: {  	s7 =	sld [smem:$0x3FAF]  }
0x2d: {  	s3 =	simm.s32 $0x108;
	s8 =	sld [smem:$0x3FB0]  }
0x2e: {  	s3 =	simm.s32 @!p0 $0x1082;
	s9 =	sld [smem:$0x3FB1]  }
0x2f: {  	lr =	sadd.s32 s0, s3;
	s0 =	sld [smem:$0x3FA8]  }
0x30: {  	s3 =	sld [smem:$0x3FAB]  }
0x31: {  	[smem:$0x3FB4] =	sst s10  }
0x32: {  	s10 =	sld [smem:$0x3FB2];
	_ =	sdelay $0x3  }
0x33: {  	p0 =	seq.s32 s10, $0x1;
	s10 =	sld [smem:$0x3FB4];
	_ =	sdelay $0x3  }
0x34: {  	[smem:$0x3FB4] =	sst s10  }
0x35: {  	s10 =	sld [smem:$0x3FB3];
	_ =	sdelay $0x3  }
0x36: {  	p1 =	seq.s32 s10, $0x1;
	s10 =	sld [smem:$0x3FB4];
	_ =	sdelay $0x3  }
0x37: {  	[smem:$0x3FB4] =	sst s10  }
0x38: {  	s10 =	sld [smem:$0x3FB5]  }
0x39: {  	_ = 	snop;
	(pc) =	sbr.ind lr, $3  }
0x3a: {  	_ = 	snop  }
0x3b: {  	_ = 	snop  }
0x3c: {  	p2 =	seq.s32 s10, $0x1;
	s10 =	sld [smem:$0x3FB4]  }
0x3d: {  	_ =	shalt  }
0x3e: {  	_ =	shalt  }
0x3f: {  	_ =	shalt  }
0x40: {  	_ =	shalt  }
0x41: {  	_ =	shalt  }
0x42: {  	_ =	shalt  }
0x43: {  	_ =	shalt  }
0x44: {  	_ =	shalt  }
0x45: {  	_ =	shalt  }
0x46: {  	_ =	shalt  }
0x47: {  	_ =	shalt  }
0x48: {  	_ =	shalt  }
0x49: {  	_ =	shalt  }
0x4a: {  	_ =	shalt  }
0x4b: {  	_ =	shalt  }
0x4c: {  	_ =	shalt  }
0x4d: {  	_ =	shalt  }
0x4e: {  	_ =	shalt  }
0x4f: {  	_ =	shalt  }
0x50: {  	_ =	shalt  }
0x51: {  	_ =	shalt  }
0x52: {  	_ =	shalt  }
0x53: {  	_ =	shalt  }
0x54: {  	_ =	shalt  }
0x55: {  	_ =	shalt  }
0x56: {  	_ =	shalt  }
0x57: {  	_ =	shalt  }
0x58: {  	_ =	shalt  }
0x59: {  	_ =	shalt  }
0x5a: {  	_ =	shalt  }
0x5b: {  	_ =	shalt  }
0x5c: {  	_ =	shalt  }
0x5d: {  	_ =	shalt  }
0x5e: {  	_ =	shalt  }
0x5f: {  	_ =	shalt  }
0x60: {  	_ =	shalt  }
0x61: {  	_ =	shalt  }
0x62: {  	_ =	shalt  }
0x63: {  	_ =	shalt  }
0x64: {  	_ =	shalt  }
0x65: {  	_ =	shalt  }
0x66: {  	_ =	shalt  }
0x67: {  	_ =	shalt  }
0x68: {  	_ =	shalt  }
0x69: {  	_ =	shalt  }
0x6a: {  	_ =	shalt  }
0x6b: {  	_ =	shalt  }
0x6c: {  	_ =	shalt  }
0x6d: {  	_ =	shalt  }
0x6e: {  	_ =	shalt  }
0x6f: {  	_ =	shalt  }
0x70: {  	_ =	shalt  }
0x71: {  	_ =	shalt  }
0x72: {  	_ =	shalt  }
0x73: {  	_ =	shalt  }
0x74: {  	_ =	shalt  }
0x75: {  	_ =	shalt  }
0x76: {  	_ =	shalt  }
0x77: {  	_ =	shalt  }
0x78: {  	_ =	shalt  }
0x79: {  	_ =	shalt  }
0x7a: {  	_ =	shalt  }
0x7b: {  	_ =	shalt  }
0x7c: {  	_ =	shalt  }
0x7d: {  	_ =	shalt  }
0x7e: {  	_ =	shalt  }
0x7f: {  	_ =	shalt  }
0x80: {  	_ =	shalt  }
0x81: {  	_ =	shalt  }
0x82: {  	_ =	shalt  }
0x83: {  	_ =	shalt  }
0x84: {  	_ =	shalt  }
0x85: {  	_ =	shalt  }
0x86: {  	_ =	shalt  }
0x87: {  	_ =	shalt  }
.Lfunc_end0:
.L_simem_size_0:
called_computation.1_lowered:
.L_overlay_start_0:
0x88: {  	s2 =	sld [smem:$0x3FD9]  }
0x89: {  	s3 =	sld [smem:$0x3FFE];
	_ =	sdelay $0x1  }
0x8a: {  	s1 =	srdreg.scid  }
0x8b: {  	s0 =	sand.u32 $0x1, s1  }
0x8c: {  	s16 =	sshll.u32 s0, $0xA;
	s2 =	sadd.s32 s3, s2  }
0x8d: {  	s2 =	sadd.s32 s2, s16  }
0x8e: {  	[smem:$0x3FC0] =	sst s2  }
0x8f: {  	_ = 	snop  }
0x90: {  	(tm) =	ssettm $0x1  }
0x91: {  	s17 =	sld [smem:$0x3FFB];
	_ =	sdelay $0x3  }
0x92: {  	_ =	strace s17  }
0x93: {  	s2 =	sld [smem:$0x3FFC];
	_ =	sdelay $0x3  }
0x94: {  	_ =	strace s2  }
0x95: {  	s2 =	sld [smem:$0x3FFD];
	_ =	sdelay $0x3  }
0x96: {  	_ =	strace s2  }
0x97: {  	_ =	strace $0x8FFFFFFF  }
0x98: {  	s18 =	sld [smem:$0x3FDB];
	_ =	sdelay $0x1  }
0x99: {  	s19 =	simm.s32 $_scs_section_size  }
0x9a: {  	s4 =	simm.s32 $_size__tile_overlayer_lowered;
	s5 =	simm.s32 $_tile_overlayer_lowered  }
0x9b: {  	s22 =	simm.s32 $0x1BFF;
	s21 =	sshll.u32 s5, $0x1;
	s2 =	sadd.s32 s19, s18  }
0x9c: {  	s6 =	simm.s32 $0x0;
	s20 =	sshll.u32 s4, $0x1;
	s4 =	sadd.s32 s21, s2  }
0x9d: {  	[timem:s6], [sflag:s22] =	dma.local [hbm:s4], s20  }
0x9e: {  	_ =	swait.ge [sflag:s22], s20  }
0x9f: {  	s3 =	ssub.s32 $0x0, s20;
	[sflag:s22] =	ssyncset.done $0x0  }
0xa0: {  	[sflag:s22] =	ssyncadd.s32 s3;
	_ =	sdelay $0x1  }
0xa1: {  	s23 =	simm.s32 $0x1B8B  }
0xa2: {  	_ =	swait.ge [sflag:s23], $0x1  }
0xa3: {  	[sflag:s23] =	ssyncset.done $0x0  }
0xa4: {  	s25 =	simm.s32 $0x1B8E;
	s24 =	sld [smem:$0x3FFE];
	[sflag:s23] =	ssyncadd.s32 $0xFFFFFFFF  }
0xa5: {  	s26 =	simm.s32 $execute0_lowered;
	[smem:$0x3FD2] =	sst s25  }
0xa6: {  	s4 =	sshll.u32 s26, $0x1;
	_ =	strace $0x80000049;
	[dreg:$0x1] =	wrdreg $0xFFFFFFFF  }
0xa7: {  	s28 =	simm.s32 $_size_execute0_lowered;
	s2 =	sadd.s32 s2, s4;
	[dreg:$0x0] =	wrdreg $0x0  }
0xa8: {  	s4 =	sshll.u32 s28, $0x1;
	[dreg:$0x2] =	wrdreg s2  }
0xa9: {  	[dreg:$0x3] =	wrdreg s4  }
0xaa: {  	[dreg:$0x4] =	wrdreg $0xC0  }
0xab: {  	_ =	task [dreg:s6], $0x5FFFF  }
0xac: {  	[dreg:$0x1] =	wrdreg $0xFFFFFFFF  }
0xad: {  	[dreg:$0x0] =	wrdreg $0x60  }
0xae: {  	[dreg:$0x2] =	wrdreg s24  }
0xaf: {  	[dreg:$0x3] =	wrdreg $0x9  }
0xb0: {  	_ =	task.clear_ibuf [dreg:s6], $0x4FFFF;
	_ =	strace $0x90000049  }
0xb1: {  	s29 =	simm.s32 $0x9;
	_ =	strace $0x8000004B  }
0xb2: {  	_ =	swait.ge [sflag:s29], $0x1  }
0xb3: {  	[sflag:s29] =	ssyncadd.s32 $0xFFFFFFFF  }
0xb4: {  	_ =	strace $0x9000004B  }
0xb5: {  	_ =	sfence  }
0xb6: {  	s30 =	sld [smem:$0x0];
	_ =	sdelay $0x2  }
0xb7: {  	s31 =	sshll.u32 s1, $0xD;
	s1 =	sshrl.u32 s1, $0x2  }
0xb8: {  	s3 =	sand.u32 $0x4000, s31;
	s1 =	sadd.s32 s1, s30  }
0xb9: {  	s0 =	sor.u32 s3, s0;
	s1 =	sshll.u32 s1, $0x11  }
0xba: {  	s0 =	sor.u32 s1, s0  }
0xbb: {  	s0 =	sadd.s32 $0x8F2B, s0  }
0xbc: {  	[sflag:s0] =	ssyncadd.remote.s32 $0x1  }
0xbd: {  	_ =	sfence.sel $0xFFFF  }
0xbe: {  	[dreg:$0x0] =	wrdreg $0xFFFFFFFF;
	(pc) =	sbr.abs _section_cstart, $3  }
0xbf: {  	[dreg:$0x1] =	wrdreg $0xFFFFFFFF  }
0xc0: {  	_ =	task.clear_ibuf [dreg:s6], $0x2FFFF;
	_ =	strace $0x9FFFFFFF  }
0xc1: {  	(tm) =	ssettm $0x7FFFFFFF  }
tec
execute0_lowered:
.L_overlay_start_1:
0x0: {  	(tag) =	ssettag $0x1  }
0x1: {  	s0 =	srdreg.scid  }
0x2: {  	s5 =	rddreg [dreg:$0x0];
	s11 =	simm.s32 $0x400;
	s12 =	simm.s32 $0x1  }
0x3: {  	s13 =	simm.s32 $0x2780;
	s14 =	simm.s32 $0x4F00;
	s4 =	sand.u32 $0x1, s0  }
0x4: {  	s15 =	simm.s32 $0x7700;
	s0 =	stileid.u32;
	s1 =	sshll.u32 s4, $0x4  }
0x5: {  	s16 =	simm.s32 $0x9F00;
	s17 =	simm.s32 $0xC700;
	s1 =	sor.u32 s0, s1  }
0x6: {  	s18 =	simm.s32 $0x0;
	s2 =	sshll.u32 s0, $0x7;
	s3 =	sshrl.u32 s1, $0x3  }
0x7: {  	s8 =	ssub.s32 $0x2, s4;
	s7 =	sand.u32 $0x380, s2;
	s6 =	smul.u32 $0x13C00, s3  }
0x8: {  	s2 =	simm.s32 $0x0;
	s1 =	rddreg [dreg:$0x1];
	s3 =	smul.u32 $0x14000, s3  }
0x9: {  	s4 =	sadd.s32 $0x53600, s5;
	s31 =	sshrl.u32 s8, $0x1;
	[smem:$0x7FF] =	sst s2  }
0xa: {  	s10 =	ssub.s32 s8, s31;
	s6 =	sor.u32 s7, s6;
	s7 =	sor.u32 s7, s3  }
0xb: {  	_ =	strace $0x8000004A;
	s6 =	sshrl.u32 s6, $0x3;
	s7 =	sshrl.u32 s7, $0x3  }
0xc: {  	s3 =	sadd.s32 $0x53C00, s5;
	s6 =	sadd.s32 s6, s5;
	s9 =	sadd.s32 s7, s5  }
0xd: {  	s5 =	sadd.s32 $0x8E400, s6;
	s6 =	sadd.s32 $0x5C600, s6;
	s7 =	sadd.s32 $0x98200, s9  }
0xe: {  	v0 =	vimm.f32 $0.0e+00;
	s8 =	sadd.s32 $0xA2200, s9;
	s9 =	smax.u32 s10, $0x1;
	s10 =	simm.s32 $0x80  }
.LBB2_1:
0xf: {  	[tilespmem:s2], [sflag:$0x1] =	stream.strided.gather [hbm4b:s5+s10], $0x2780, s11, s10, $0x38;
	[tilespmem:$0xEF00] =	vst v63  }
0x10: {  	_ =	swait.ge [sflag:s12], $0x2780  }
0x11: {  	[sflag:s12] =	ssyncset.done $0x0  }
0x12: {  	[sflag:s12] =	ssyncadd.s32 $0xFFFFD880  }
0x13: {  	[tilespmem:s13], [sflag:$0x1] =	stream.strided.gather [hbm4b:s6+s10], $0x2780, s11, s10, $0x38;
	[tilespmem:$0xEF00] =	vst v63  }
0x14: {  	_ =	swait.ge [sflag:s12], $0x2780  }
0x15: {  	[sflag:s12] =	ssyncset.done $0x0  }
0x16: {  	[sflag:s12] =	ssyncadd.s32 $0xFFFFD880  }
0x17: {  	[tilespmem:s14], [sflag:$0x1] =	stream.linear.gather [hbm4b:s3+s2], $0x2800, $0x38;
	[tilespmem:$0xEF00] =	vst v63  }
0x18: {  	_ =	swait.ge [sflag:s12], $0x2800  }
0x19: {  	[sflag:s12] =	ssyncset.done $0x0  }
0x1a: {  	[sflag:s12] =	ssyncadd.s32 $0xFFFFD800  }
0x1b: {  	[tilespmem:s15], [sflag:$0x1] =	stream.linear.gather [hbm4b:s4+s2], $0x2800, $0x38;
	[tilespmem:$0xEF00] =	vst v63  }
0x1c: {  	_ =	swait.ge [sflag:s12], $0x2800  }
0x1d: {  	[sflag:s12] =	ssyncset.done $0x0  }
0x1e: {  	s19 =	simm.s32 $0x0;
	[sflag:s12] =	ssyncadd.s32 $0xFFFFD800  }
.LBB2_2:
0x1f: {  	p0 =	sne.s32 s19, $0x9FC0  }
.Ltmp0:
0x20: {  	_ = 	snop;
	(pc) =	sbr.rel @p0 .LBB2_2-.Ltmp0, $4  }
0x21: {  	_ = 	snop  }
0x22: {  	s20 =	sshra.s32 s19, $0x2  }
0x23: {  	[tilespmem:s20+$0x9F00] =	vst v0  }
0x24: {  	s19 =	sadd.s32 $0x40, s19;
	[tilespmem:s20+$0xC700] =	vst v0  }
0x25: {  	s19 =	simm.s32 $0x0  }
0x26: {  	v2 =	vld [tilespmem:s19+$0x0];
	_ =	sdelay $0x4  }
0x27: {  	v1 =	vld [tilespmem:s19+$0x2780];
	_ =	sdelay $0x2  }
0x28: {  	v3 =	vld.idx.msk [tilespmem:v2+s14+$0x0], $0xffff;
	_ =	sdelay $0x4  }
0x29: {  	[tilespmem:v1+s16+$0x0] =	vst.idx.add.f32.msk $0xffff, v3  }
0x2a: {  	s20 =	simm.s32 $0x80;
	s19 =	simm.s32 $0x40;
	v2 =	vld.idx.msk [tilespmem:v2+s15+$0x0], $0xffff  }
.LBB2_4:
0x2b: {  	_ =	sdelay $0x2  }
0x2c: {  	p0 =	sne.s32 s20, $0x9C00  }
0x2d: {  	s21 =	sshra.s32 s19, $0x2;
	s19 =	smov.u32 s20;
	s20 =	sadd.s32 $0x40, s20;
	[tilespmem:v1+s17+$0x0] =	vst.idx.add.f32.msk $0xffff, v2  }
0x2e: {  	v2 =	vld [tilespmem:s21+$0x0];
	_ =	sdelay $0x5  }
0x2f: {  	v1 =	vld [tilespmem:s21+$0x2780];
	_ =	sdelay $0x1  }
0x30: {  	v3 =	vld.idx.msk [tilespmem:v2+s14+$0x0], $0xffff;
	_ =	sdelay $0x2  }
.Ltmp1:
0x31: {  	(pc) =	sbr.rel @p0 .LBB2_4-.Ltmp1, $3  }
0x32: {  	_ =	sdelay $0x1  }
0x33: {  	[tilespmem:v1+s16+$0x0] =	vst.idx.add.f32.msk $0xffff, v3  }
0x34: {  	v2 =	vld.idx.msk [tilespmem:v2+s15+$0x0], $0xffff  }
0x35: {  	_ =	sdelay $0x3  }
0x36: {  	s19 =	sshra.s32 s19, $0x2;
	[tilespmem:v1+s17+$0x0] =	vst.idx.add.f32.msk $0xffff, v2  }
0x37: {  	v1 =	vld [tilespmem:s19+$0x0];
	_ =	sdelay $0x4  }
0x38: {  	v2 =	vld [tilespmem:s19+$0x2780];
	_ =	sdelay $0x2  }
0x39: {  	v3 =	vld.idx.msk [tilespmem:v1+s14+$0x0], $0xffff;
	_ =	sdelay $0x4  }
0x3a: {  	[tilespmem:v2+s16+$0x0] =	vst.idx.add.f32.msk $0xffff, v3  }
0x3b: {  	v1 =	vld.idx.msk [tilespmem:v1+s15+$0x0], $0xffff;
	_ =	sdelay $0x4  }
0x3c: {  	[tilespmem:v2+s17+$0x0] =	vst.idx.add.f32.msk $0xffff, v1  }
0x3d: {  	[hbm4b:s7+s10] =	stream.strided.scatter [tilespmem:s16], [sflag:$0x1], $0x2800, s11, s10, $0x38;
	[tilespmem:$0xEF00] =	vst v63  }
0x3e: {  	s18 =	sadd.s32 $0x1, s18;
	_ =	swait.ge [sflag:s12], $0x2800  }
0x3f: {  	p0 =	sne.s32 s18, s9;
	[sflag:s12] =	ssyncset.done $0x0  }
.Ltmp2:
0x40: {  	[sflag:s12] =	ssyncadd.s32 $0xFFFFD800;
	(pc) =	sbr.rel @p0 .LBB2_1-.Ltmp2, $4  }
0x41: {  	[hbm4b:s8+s10] =	stream.strided.scatter [tilespmem:s17], [sflag:$0x1], $0x2800, s11, s10, $0x38;
	[tilespmem:$0xEF00] =	vst v63  }
0x42: {  	_ =	swait.ge [sflag:s12], $0x2800  }
0x43: {  	[sflag:s12] =	ssyncset.done $0x0  }
0x44: {  	[sflag:s12] =	ssyncadd.s32 $0xFFFFD800  }
0x45: {  	_ =	sfence.sel $0x180000  }
0x46: {  	[bflag:$0x0] =	sbarrier.arrive $0xFFFF  }
0x47: {  	p0 =	sne.s32 s0, $0x0;
	_ =	strace $0x9000004A  }
0x48: {  	s0 =	sadd.s32 @!p0 $0x100000, s1;
	[bflag:$0x2] =	sbarrier.arrive $0xFFFF  }
0x49: {  	[sflag:s0] =	ssyncadd.tile.s32 @!p0 $0x1;
	_ =	shalt  }
.Lfunc_end2:
_tile_overlayer_lowered:
.L_overlay_start_2:
0x4a: {  	(tag) =	ssettag $0x2  }
0x4b: {  	s0 =	rddreg [dreg:$0x0];
	s2 =	stileid.u32  }
0x4c: {  	s1 =	rddreg [dreg:$0x1];
	p0 =	sne.s32 s2, $0x0  }
0x4d: {  	s3 =	rddreg [dreg:$0x2];
	[bflag:$0x3] =	sbarrier.arrive $0xFFFF;
	s2 =	simm.s32 @!p0 $0x1C01  }
0x4e: {  	[timem:s3], [sflag:s2] =	dma.local @!p0 [hbm:s0], s1  }
0x4f: {  	s0 =	simm.s32 @!p0 $0x1  }
0x50: {  	_ =	swait.ge @!p0 [sflag:s0], s1  }
0x51: {  	s1 =	ssub.s32 @!p0 $0x0, s1;
	[sflag:s0] =	ssyncset.done @!p0 $0x0  }
0x52: {  	[sflag:s0] =	ssyncadd.s32 @!p0 s1  }
0x53: {  	[bflag:$0x3] =	sbarrier.arrive $0xFFFF  }
0x54: {  	_ =	shalt  }

// kernel: kernel.18.cloned.1.call-start
scs
__scs_entry_jumppad:
0x0: {  	(pc) =	sbr.rel $0x88, $3  }
0x1: {  	(tag) =	ssettag $0x0;
	lr =	simm.s32 $0x1  }
0x2: {  	[smem:$0x3F99] =	sst lr;
	_ =	strace $0xD0000000  }
0x3: {  	_ = 	snop  }
0x4: {  	_ = 	snop  }
0x5: {  	_ = 	snop  }
0x6: {  	_ = 	snop  }
0x7: {  	_ = 	snop  }
__scs_overlays_trampoline_lowered:
0x8: {  	[smem:$0x3FA8] =	sst s0  }
0x9: {  	[smem:$0x3FA9] =	sst s1  }
0xa: {  	[smem:$0x3FAA] =	sst s2  }
0xb: {  	[smem:$0x3FAB] =	sst s3  }
0xc: {  	[smem:$0x3FAC] =	sst s4  }
0xd: {  	[smem:$0x3FAD] =	sst s5  }
0xe: {  	[smem:$0x3FAE] =	sst s6  }
0xf: {  	[smem:$0x3FAF] =	sst s7  }
0x10: {  	[smem:$0x3FB0] =	sst s8  }
0x11: {  	[smem:$0x3FB1] =	sst s9;
	s0 =	simm.s32 @!p0 $0x0  }
0x12: {  	s1 =	sld [smem:$0x3F97];
	s0 =	simm.s32 @p0 $0x1  }
0x13: {  	[smem:$0x3FB2] =	sst s0;
	s0 =	simm.s32 @!p1 $0x0  }
0x14: {  	s2 =	sld [smem:$0x3F96];
	s0 =	simm.s32 @p1 $0x1  }
0x15: {  	[smem:$0x3FB3] =	sst s0;
	s0 =	simm.s32 @!p2 $0x0  }
0x16: {  	s3 =	sld [smem:$0x3FDB];
	s0 =	simm.s32 @p2 $0x1  }
0x17: {  	s4 =	simm.s32 $0x1BF5;
	[smem:$0x3FB5] =	sst s0  }
0x18: {  	s0 =	sld [smem:$0x3F98];
	_ =	swait.ge [sflag:s4], $0x0  }
0x19: {  	s7 =	sld [smem:$0x3F99]  }
0x1a: {  	s8 =	sadd.s32 $0xFFFFE003, lr  }
0x1b: {  	s9 =	sadd.s32 $0xFFFFFEF7, lr;
	s5 =	simm.s32 $0xFFFFFFFF;
	p2 =	slt.u32 s8, $0xFFFFF086  }
0x1c: {  	p1 =	slt.u32 s9, $0xF7A;
	s5 =	simm.s32 @!p2 $0x0  }
0x1d: {  	s5 =	simm.s32 @p1 $0x1;
	p0 =	seq.s32 s7, s2  }
0x1e: {  	s7 =	smul.u32 @!p0 $0xF7A, s2;
	p2 =	seq.s32 @!p0 s5, $0x0  }
0x1f: {  	s9 =	smul.u32 $0xF7A, s1;
	s8 =	simm.s32 @!p0 $0x1BF5;
	p2 =	por !p2, p0  }
0x20: {  	[sflag:s8] =	ssyncset.s32 @!p0 $0xFFFFF086;
	s6 =	sadd.s32 @!p0 s3, s7;
	s7 =	simm.s32 @!p0 $0x108  }
0x21: {  	s3 =	sadd.s32 s3, s9;
	s6 =	sadd.s32 @!p0 $0x88, s6;
	s7 =	simm.s32 @p2 $0x1082  }
0x22: {  	[simem:s7], [sflag:s8] =	dma.local @!p0 [hbm:s6], $0xF7A  }
0x23: {  	s9 =	sor.u32 $0xD0000000, s2;
	s6 =	simm.s32 $0x108;
	_ =	swait.ge @!p0 [sflag:s8], $0x0  }
0x24: {  	s3 =	sadd.s32 $0x88, s3;
	s6 =	simm.s32 @!p1 $0x1082;
	[sflag:s4] =	ssyncset.s32 $0xFFFFF086  }
0x25: {  	[simem:s6], [sflag:s4] =	dma.local [hbm:s3], $0xF7A  }
0x26: {  	[smem:$0x3F99] =	sst s1;
	(tag) =	ssettag s2;
	_ =	strace s9  }
0x27: {  	s1 =	sld [smem:$0x3FA9]  }
0x28: {  	s2 =	sld [smem:$0x3FAA]  }
0x29: {  	s4 =	sld [smem:$0x3FAC]  }
0x2a: {  	p0 =	seq.s32 s5, $0x0;
	s5 =	sld [smem:$0x3FAD]  }
0x2b: {  	s6 =	sld [smem:$0x3FAE]  }
0x2c: {  	s7 =	sld [smem:$0x3FAF]  }
0x2d: {  	s3 =	simm.s32 $0x108;
	s8 =	sld [smem:$0x3FB0]  }
0x2e: {  	s3 =	simm.s32 @!p0 $0x1082;
	s9 =	sld [smem:$0x3FB1]  }
0x2f: {  	lr =	sadd.s32 s0, s3;
	s0 =	sld [smem:$0x3FA8]  }
0x30: {  	s3 =	sld [smem:$0x3FAB]  }
0x31: {  	[smem:$0x3FB4] =	sst s10  }
0x32: {  	s10 =	sld [smem:$0x3FB2];
	_ =	sdelay $0x3  }
0x33: {  	p0 =	seq.s32 s10, $0x1;
	s10 =	sld [smem:$0x3FB4];
	_ =	sdelay $0x3  }
0x34: {  	[smem:$0x3FB4] =	sst s10  }
0x35: {  	s10 =	sld [smem:$0x3FB3];
	_ =	sdelay $0x3  }
0x36: {  	p1 =	seq.s32 s10, $0x1;
	s10 =	sld [smem:$0x3FB4];
	_ =	sdelay $0x3  }
0x37: {  	[smem:$0x3FB4] =	sst s10  }
0x38: {  	s10 =	sld [smem:$0x3FB5]  }
0x39: {  	_ = 	snop;
	(pc) =	sbr.ind lr, $3  }
0x3a: {  	_ = 	snop  }
0x3b: {  	_ = 	snop  }
0x3c: {  	p2 =	seq.s32 s10, $0x1;
	s10 =	sld [smem:$0x3FB4]  }
0x3d: {  	_ =	shalt  }
0x3e: {  	_ =	shalt  }
0x3f: {  	_ =	shalt  }
0x40: {  	_ =	shalt  }
0x41: {  	_ =	shalt  }
0x42: {  	_ =	shalt  }
0x43: {  	_ =	shalt  }
0x44: {  	_ =	shalt  }
0x45: {  	_ =	shalt  }
0x46: {  	_ =	shalt  }
0x47: {  	_ =	shalt  }
0x48: {  	_ =	shalt  }
0x49: {  	_ =	shalt  }
0x4a: {  	_ =	shalt  }
0x4b: {  	_ =	shalt  }
0x4c: {  	_ =	shalt  }
0x4d: {  	_ =	shalt  }
0x4e: {  	_ =	shalt  }
0x4f: {  	_ =	shalt  }
0x50: {  	_ =	shalt  }
0x51: {  	_ =	shalt  }
0x52: {  	_ =	shalt  }
0x53: {  	_ =	shalt  }
0x54: {  	_ =	shalt  }
0x55: {  	_ =	shalt  }
0x56: {  	_ =	shalt  }
0x57: {  	_ =	shalt  }
0x58: {  	_ =	shalt  }
0x59: {  	_ =	shalt  }
0x5a: {  	_ =	shalt  }
0x5b: {  	_ =	shalt  }
0x5c: {  	_ =	shalt  }
0x5d: {  	_ =	shalt  }
0x5e: {  	_ =	shalt  }
0x5f: {  	_ =	shalt  }
0x60: {  	_ =	shalt  }
0x61: {  	_ =	shalt  }
0x62: {  	_ =	shalt  }
0x63: {  	_ =	shalt  }
0x64: {  	_ =	shalt  }
0x65: {  	_ =	shalt  }
0x66: {  	_ =	shalt  }
0x67: {  	_ =	shalt  }
0x68: {  	_ =	shalt  }
0x69: {  	_ =	shalt  }
0x6a: {  	_ =	shalt  }
0x6b: {  	_ =	shalt  }
0x6c: {  	_ =	shalt  }
0x6d: {  	_ =	shalt  }
0x6e: {  	_ =	shalt  }
0x6f: {  	_ =	shalt  }
0x70: {  	_ =	shalt  }
0x71: {  	_ =	shalt  }
0x72: {  	_ =	shalt  }
0x73: {  	_ =	shalt  }
0x74: {  	_ =	shalt  }
0x75: {  	_ =	shalt  }
0x76: {  	_ =	shalt  }
0x77: {  	_ =	shalt  }
0x78: {  	_ =	shalt  }
0x79: {  	_ =	shalt  }
0x7a: {  	_ =	shalt  }
0x7b: {  	_ =	shalt  }
0x7c: {  	_ =	shalt  }
0x7d: {  	_ =	shalt  }
0x7e: {  	_ =	shalt  }
0x7f: {  	_ =	shalt  }
0x80: {  	_ =	shalt  }
0x81: {  	_ =	shalt  }
0x82: {  	_ =	shalt  }
0x83: {  	_ =	shalt  }
0x84: {  	_ =	shalt  }
0x85: {  	_ =	shalt  }
0x86: {  	_ =	shalt  }
0x87: {  	_ =	shalt  }
.Lfunc_end0:
.L_simem_size_0:
called_computation.2_lowered:
.L_overlay_start_0:
0x88: {  	s2 =	sld [smem:$0x3FD9]  }
0x89: {  	s3 =	sld [smem:$0x3FFE];
	_ =	sdelay $0x1  }
0x8a: {  	s1 =	srdreg.scid  }
0x8b: {  	s0 =	sand.u32 $0x1, s1  }
0x8c: {  	s16 =	sshll.u32 s0, $0xA;
	s2 =	sadd.s32 s3, s2  }
0x8d: {  	s2 =	sadd.s32 s2, s16  }
0x8e: {  	[smem:$0x3FC0] =	sst s2  }
0x8f: {  	_ = 	snop  }
0x90: {  	(tm) =	ssettm $0x1  }
0x91: {  	s17 =	sld [smem:$0x3FFB];
	_ =	sdelay $0x3  }
0x92: {  	_ =	strace s17  }
0x93: {  	s2 =	sld [smem:$0x3FFC];
	_ =	sdelay $0x3  }
0x94: {  	_ =	strace s2  }
0x95: {  	s2 =	sld [smem:$0x3FFD];
	_ =	sdelay $0x3  }
0x96: {  	_ =	strace s2  }
0x97: {  	_ =	strace $0x8FFFFFFF  }
0x98: {  	s18 =	sld [smem:$0x3FDB];
	_ =	sdelay $0x1  }
0x99: {  	s19 =	simm.s32 $_scs_section_size  }
0x9a: {  	s4 =	simm.s32 $_size__tile_overlayer_lowered;
	s5 =	simm.s32 $_tile_overlayer_lowered  }
0x9b: {  	s22 =	simm.s32 $0x1BFF;
	s21 =	sshll.u32 s5, $0x1;
	s2 =	sadd.s32 s19, s18  }
0x9c: {  	s6 =	simm.s32 $0x0;
	s20 =	sshll.u32 s4, $0x1;
	s4 =	sadd.s32 s21, s2  }
0x9d: {  	[timem:s6], [sflag:s22] =	dma.local [hbm:s4], s20  }
0x9e: {  	_ =	swait.ge [sflag:s22], s20  }
0x9f: {  	s3 =	ssub.s32 $0x0, s20;
	[sflag:s22] =	ssyncset.done $0x0  }
0xa0: {  	[sflag:s22] =	ssyncadd.s32 s3;
	_ =	sdelay $0x1  }
0xa1: {  	s23 =	simm.s32 $0x1B8B  }
0xa2: {  	_ =	swait.ge [sflag:s23], $0x1  }
0xa3: {  	[sflag:s23] =	ssyncset.done $0x0  }
0xa4: {  	s25 =	simm.s32 $0x1B8E;
	s24 =	sld [smem:$0x3FFE];
	[sflag:s23] =	ssyncadd.s32 $0xFFFFFFFF  }
0xa5: {  	s26 =	simm.s32 $execute0_lowered;
	[smem:$0x3FD2] =	sst s25  }
0xa6: {  	s4 =	sshll.u32 s26, $0x1;
	_ =	strace $0x8000004C;
	[dreg:$0x1] =	wrdreg $0xFFFFFFFF  }
0xa7: {  	s28 =	simm.s32 $_size_execute0_lowered;
	s2 =	sadd.s32 s2, s4;
	[dreg:$0x0] =	wrdreg $0x0  }
0xa8: {  	s4 =	sshll.u32 s28, $0x1;
	[dreg:$0x2] =	wrdreg s2  }
0xa9: {  	[dreg:$0x3] =	wrdreg s4  }
0xaa: {  	[dreg:$0x4] =	wrdreg $0xC0  }
0xab: {  	_ =	task [dreg:s6], $0x5FFFF  }
0xac: {  	[dreg:$0x1] =	wrdreg $0xFFFFFFFF  }
0xad: {  	[dreg:$0x0] =	wrdreg $0x60  }
0xae: {  	[dreg:$0x2] =	wrdreg s24  }
0xaf: {  	[dreg:$0x3] =	wrdreg $0x9  }
0xb0: {  	_ =	task.clear_ibuf [dreg:s6], $0x4FFFF;
	_ =	strace $0x9000004C  }
0xb1: {  	s29 =	simm.s32 $0x9;
	_ =	strace $0x8000004E  }
0xb2: {  	_ =	swait.ge [sflag:s29], $0x1  }
0xb3: {  	[sflag:s29] =	ssyncadd.s32 $0xFFFFFFFF  }
0xb4: {  	_ =	strace $0x9000004E  }
0xb5: {  	_ =	sfence  }
0xb6: {  	s30 =	sld [smem:$0x0];
	_ =	sdelay $0x2  }
0xb7: {  	s31 =	sshll.u32 s1, $0xD;
	s1 =	sshrl.u32 s1, $0x2  }
0xb8: {  	s3 =	sand.u32 $0x4000, s31;
	s1 =	sadd.s32 s1, s30  }
0xb9: {  	s0 =	sor.u32 s3, s0;
	s1 =	sshll.u32 s1, $0x11  }
0xba: {  	s0 =	sor.u32 s1, s0  }
0xbb: {  	s0 =	sadd.s32 $0x8F2B, s0  }
0xbc: {  	[sflag:s0] =	ssyncadd.remote.s32 $0x1  }
0xbd: {  	_ =	sfence.sel $0xFFFF  }
0xbe: {  	[dreg:$0x0] =	wrdreg $0xFFFFFFFF;
	(pc) =	sbr.abs _section_cstart, $3  }
0xbf: {  	[dreg:$0x1] =	wrdreg $0xFFFFFFFF  }
0xc0: {  	_ =	task.clear_ibuf [dreg:s6], $0x2FFFF;
	_ =	strace $0x9FFFFFFF  }
0xc1: {  	(tm) =	ssettm $0x7FFFFFFF  }
tec
execute0_lowered:
.L_overlay_start_1:
0x0: {  	(tag) =	ssettag $0x1  }
0x1: {  	s0 =	srdreg.scid  }
0x2: {  	s5 =	rddreg [dreg:$0x0];
	s11 =	simm.s32 $0x400;
	s12 =	simm.s32 $0x1  }
0x3: {  	s13 =	simm.s32 $0x2780;
	s14 =	simm.s32 $0x4F00;
	s4 =	sand.u32 $0x1, s0  }
0x4: {  	s15 =	simm.s32 $0x7700;
	s0 =	stileid.u32;
	s1 =	sshll.u32 s4, $0x4  }
0x5: {  	s16 =	simm.s32 $0x9F00;
	s17 =	simm.s32 $0xC700;
	s1 =	sor.u32 s0, s1  }
0x6: {  	s18 =	simm.s32 $0x0;
	s2 =	sshll.u32 s0, $0x7;
	s3 =	sshrl.u32 s1, $0x3  }
0x7: {  	s8 =	ssub.s32 $0x2, s4;
	s7 =	sand.u32 $0x380, s2;
	s6 =	smul.u32 $0x13C00, s3  }
0x8: {  	s2 =	simm.s32 $0x0;
	s1 =	rddreg [dreg:$0x1];
	s3 =	smul.u32 $0x14000, s3  }
0x9: {  	s4 =	sadd.s32 $0x53C00, s5;
	s31 =	sshrl.u32 s8, $0x1;
	[smem:$0x7FF] =	sst s2  }
0xa: {  	s10 =	ssub.s32 s8, s31;
	s6 =	sor.u32 s7, s6;
	s7 =	sor.u32 s7, s3  }
0xb: {  	_ =	strace $0x8000004D;
	s6 =	sshrl.u32 s6, $0x3;
	s7 =	sshrl.u32 s7, $0x3  }
0xc: {  	s3 =	sadd.s32 $0x53600, s5;
	s6 =	sadd.s32 s6, s5;
	s9 =	sadd.s32 s7, s5  }
0xd: {  	s5 =	sadd.s32 $0x8E400, s6;
	s6 =	sadd.s32 $0x5C600, s6;
	s7 =	sadd.s32 $0x110200, s9  }
0xe: {  	v0 =	vimm.f32 $0.0e+00;
	s8 =	sadd.s32 $0x11A200, s9;
	s9 =	smax.u32 s10, $0x1;
	s10 =	simm.s32 $0x80  }
.LBB2_1:
0xf: {  	[tilespmem:s2], [sflag:$0x1] =	stream.strided.gather [hbm4b:s5+s10], $0x2780, s11, s10, $0x38;
	[tilespmem:$0xEF00] =	vst v63  }
0x10: {  	_ =	swait.ge [sflag:s12], $0x2780  }
0x11: {  	[sflag:s12] =	ssyncset.done $0x0  }
0x12: {  	[sflag:s12] =	ssyncadd.s32 $0xFFFFD880  }
0x13: {  	[tilespmem:s13], [sflag:$0x1] =	stream.strided.gather [hbm4b:s6+s10], $0x2780, s11, s10, $0x38;
	[tilespmem:$0xEF00] =	vst v63  }
0x14: {  	_ =	swait.ge [sflag:s12], $0x2780  }
0x15: {  	[sflag:s12] =	ssyncset.done $0x0  }
0x16: {  	[sflag:s12] =	ssyncadd.s32 $0xFFFFD880  }
0x17: {  	[tilespmem:s14], [sflag:$0x1] =	stream.linear.gather [hbm4b:s3+s2], $0x2800, $0x38;
	[tilespmem:$0xEF00] =	vst v63  }
0x18: {  	_ =	swait.ge [sflag:s12], $0x2800  }
0x19: {  	[sflag:s12] =	ssyncset.done $0x0  }
0x1a: {  	[sflag:s12] =	ssyncadd.s32 $0xFFFFD800  }
0x1b: {  	[tilespmem:s15], [sflag:$0x1] =	stream.linear.gather [hbm4b:s4+s2], $0x2800, $0x38;
	[tilespmem:$0xEF00] =	vst v63  }
0x1c: {  	_ =	swait.ge [sflag:s12], $0x2800  }
0x1d: {  	[sflag:s12] =	ssyncset.done $0x0  }
0x1e: {  	s19 =	simm.s32 $0x0;
	[sflag:s12] =	ssyncadd.s32 $0xFFFFD800  }
.LBB2_2:
0x1f: {  	p0 =	sne.s32 s19, $0x9FC0  }
.Ltmp0:
0x20: {  	_ = 	snop;
	(pc) =	sbr.rel @p0 .LBB2_2-.Ltmp0, $4  }
0x21: {  	_ = 	snop  }
0x22: {  	s20 =	sshra.s32 s19, $0x2  }
0x23: {  	[tilespmem:s20+$0x9F00] =	vst v0  }
0x24: {  	s19 =	sadd.s32 $0x40, s19;
	[tilespmem:s20+$0xC700] =	vst v0  }
0x25: {  	s19 =	simm.s32 $0x0  }
0x26: {  	v2 =	vld [tilespmem:s19+$0x0];
	_ =	sdelay $0x4  }
0x27: {  	v1 =	vld [tilespmem:s19+$0x2780];
	_ =	sdelay $0x2  }
0x28: {  	v3 =	vld.idx.msk [tilespmem:v2+s14+$0x0], $0xffff;
	_ =	sdelay $0x4  }
0x29: {  	[tilespmem:v1+s16+$0x0] =	vst.idx.add.f32.msk $0xffff, v3  }
0x2a: {  	s20 =	simm.s32 $0x80;
	s19 =	simm.s32 $0x40;
	v2 =	vld.idx.msk [tilespmem:v2+s15+$0x0], $0xffff  }
.LBB2_4:
0x2b: {  	_ =	sdelay $0x2  }
0x2c: {  	p0 =	sne.s32 s20, $0x9C00  }
0x2d: {  	s21 =	sshra.s32 s19, $0x2;
	s19 =	smov.u32 s20;
	s20 =	sadd.s32 $0x40, s20;
	[tilespmem:v1+s17+$0x0] =	vst.idx.add.f32.msk $0xffff, v2  }
0x2e: {  	v2 =	vld [tilespmem:s21+$0x0];
	_ =	sdelay $0x5  }
0x2f: {  	v1 =	vld [tilespmem:s21+$0x2780];
	_ =	sdelay $0x1  }
0x30: {  	v3 =	vld.idx.msk [tilespmem:v2+s14+$0x0], $0xffff;
	_ =	sdelay $0x2  }
.Ltmp1:
0x31: {  	(pc) =	sbr.rel @p0 .LBB2_4-.Ltmp1, $3  }
0x32: {  	_ =	sdelay $0x1  }
0x33: {  	[tilespmem:v1+s16+$0x0] =	vst.idx.add.f32.msk $0xffff, v3  }
0x34: {  	v2 =	vld.idx.msk [tilespmem:v2+s15+$0x0], $0xffff  }
0x35: {  	_ =	sdelay $0x3  }
0x36: {  	s19 =	sshra.s32 s19, $0x2;
	[tilespmem:v1+s17+$0x0] =	vst.idx.add.f32.msk $0xffff, v2  }
0x37: {  	v1 =	vld [tilespmem:s19+$0x0];
	_ =	sdelay $0x4  }
0x38: {  	v2 =	vld [tilespmem:s19+$0x2780];
	_ =	sdelay $0x2  }
0x39: {  	v3 =	vld.idx.msk [tilespmem:v1+s14+$0x0], $0xffff;
	_ =	sdelay $0x4  }
0x3a: {  	[tilespmem:v2+s16+$0x0] =	vst.idx.add.f32.msk $0xffff, v3  }
0x3b: {  	v1 =	vld.idx.msk [tilespmem:v1+s15+$0x0], $0xffff;
	_ =	sdelay $0x4  }
0x3c: {  	[tilespmem:v2+s17+$0x0] =	vst.idx.add.f32.msk $0xffff, v1  }
0x3d: {  	[hbm4b:s7+s10] =	stream.strided.scatter [tilespmem:s16], [sflag:$0x1], $0x2800, s11, s10, $0x38;
	[tilespmem:$0xEF00] =	vst v63  }
0x3e: {  	s18 =	sadd.s32 $0x1, s18;
	_ =	swait.ge [sflag:s12], $0x2800  }
0x3f: {  	p0 =	sne.s32 s18, s9;
	[sflag:s12] =	ssyncset.done $0x0  }
.Ltmp2:
0x40: {  	[sflag:s12] =	ssyncadd.s32 $0xFFFFD800;
	(pc) =	sbr.rel @p0 .LBB2_1-.Ltmp2, $4  }
0x41: {  	[hbm4b:s8+s10] =	stream.strided.scatter [tilespmem:s17], [sflag:$0x1], $0x2800, s11, s10, $0x38;
	[tilespmem:$0xEF00] =	vst v63  }
0x42: {  	_ =	swait.ge [sflag:s12], $0x2800  }
0x43: {  	[sflag:s12] =	ssyncset.done $0x0  }
0x44: {  	[sflag:s12] =	ssyncadd.s32 $0xFFFFD800  }
0x45: {  	_ =	sfence.sel $0x180000  }
0x46: {  	[bflag:$0x0] =	sbarrier.arrive $0xFFFF  }
0x47: {  	p0 =	sne.s32 s0, $0x0;
	_ =	strace $0x9000004D  }
0x48: {  	s0 =	sadd.s32 @!p0 $0x100000, s1;
	[bflag:$0x2] =	sbarrier.arrive $0xFFFF  }
0x49: {  	[sflag:s0] =	ssyncadd.tile.s32 @!p0 $0x1;
	_ =	shalt  }
.Lfunc_end2:
_tile_overlayer_lowered:
.L_overlay_start_2:
0x4a: {  	(tag) =	ssettag $0x2  }
0x4b: {  	s0 =	rddreg [dreg:$0x0];
	s2 =	stileid.u32  }
0x4c: {  	s1 =	rddreg [dreg:$0x1];
	p0 =	sne.s32 s2, $0x0  }
0x4d: {  	s3 =	rddreg [dreg:$0x2];
	[bflag:$0x3] =	sbarrier.arrive $0xFFFF;
	s2 =	simm.s32 @!p0 $0x1C01  }
0x4e: {  	[timem:s3], [sflag:s2] =	dma.local @!p0 [hbm:s0], s1  }
0x4f: {  	s0 =	simm.s32 @!p0 $0x1  }
0x50: {  	_ =	swait.ge @!p0 [sflag:s0], s1  }
0x51: {  	s1 =	ssub.s32 @!p0 $0x0, s1;
	[sflag:s0] =	ssyncset.done @!p0 $0x0  }
0x52: {  	[sflag:s0] =	ssyncadd.s32 @!p0 s1  }
0x53: {  	[bflag:$0x3] =	sbarrier.arrive $0xFFFF  }
0x54: {  	_ =	shalt  }

// kernel: kernel.21.cloned.1.call-start
scs
__scs_entry_jumppad:
0x0: {  	(pc) =	sbr.rel $0x88, $3  }
0x1: {  	(tag) =	ssettag $0x0;
	lr =	simm.s32 $0x1  }
0x2: {  	[smem:$0x3F99] =	sst lr;
	_ =	strace $0xD0000000  }
0x3: {  	_ = 	snop  }
0x4: {  	_ = 	snop  }
0x5: {  	_ = 	snop  }
0x6: {  	_ = 	snop  }
0x7: {  	_ = 	snop  }
__scs_overlays_trampoline_lowered:
0x8: {  	[smem:$0x3FA8] =	sst s0  }
0x9: {  	[smem:$0x3FA9] =	sst s1  }
0xa: {  	[smem:$0x3FAA] =	sst s2  }
0xb: {  	[smem:$0x3FAB] =	sst s3  }
0xc: {  	[smem:$0x3FAC] =	sst s4  }
0xd: {  	[smem:$0x3FAD] =	sst s5  }
0xe: {  	[smem:$0x3FAE] =	sst s6  }
0xf: {  	[smem:$0x3FAF] =	sst s7  }
0x10: {  	[smem:$0x3FB0] =	sst s8  }
0x11: {  	[smem:$0x3FB1] =	sst s9;
	s0 =	simm.s32 @!p0 $0x0  }
0x12: {  	s1 =	sld [smem:$0x3F97];
	s0 =	simm.s32 @p0 $0x1  }
0x13: {  	[smem:$0x3FB2] =	sst s0;
	s0 =	simm.s32 @!p1 $0x0  }
0x14: {  	s2 =	sld [smem:$0x3F96];
	s0 =	simm.s32 @p1 $0x1  }
0x15: {  	[smem:$0x3FB3] =	sst s0;
	s0 =	simm.s32 @!p2 $0x0  }
0x16: {  	s3 =	sld [smem:$0x3FDB];
	s0 =	simm.s32 @p2 $0x1  }
0x17: {  	s4 =	simm.s32 $0x1BF5;
	[smem:$0x3FB5] =	sst s0  }
0x18: {  	s0 =	sld [smem:$0x3F98];
	_ =	swait.ge [sflag:s4], $0x0  }
0x19: {  	s7 =	sld [smem:$0x3F99]  }
0x1a: {  	s8 =	sadd.s32 $0xFFFFE003, lr  }
0x1b: {  	s9 =	sadd.s32 $0xFFFFFEF7, lr;
	s5 =	simm.s32 $0xFFFFFFFF;
	p2 =	slt.u32 s8, $0xFFFFF086  }
0x1c: {  	p1 =	slt.u32 s9, $0xF7A;
	s5 =	simm.s32 @!p2 $0x0  }
0x1d: {  	s5 =	simm.s32 @p1 $0x1;
	p0 =	seq.s32 s7, s2  }
0x1e: {  	s7 =	smul.u32 @!p0 $0xF7A, s2;
	p2 =	seq.s32 @!p0 s5, $0x0  }
0x1f: {  	s9 =	smul.u32 $0xF7A, s1;
	s8 =	simm.s32 @!p0 $0x1BF5;
	p2 =	por !p2, p0  }
0x20: {  	[sflag:s8] =	ssyncset.s32 @!p0 $0xFFFFF086;
	s6 =	sadd.s32 @!p0 s3, s7;
	s7 =	simm.s32 @!p0 $0x108  }
0x21: {  	s3 =	sadd.s32 s3, s9;
	s6 =	sadd.s32 @!p0 $0x88, s6;
	s7 =	simm.s32 @p2 $0x1082  }
0x22: {  	[simem:s7], [sflag:s8] =	dma.local @!p0 [hbm:s6], $0xF7A  }
0x23: {  	s9 =	sor.u32 $0xD0000000, s2;
	s6 =	simm.s32 $0x108;
	_ =	swait.ge @!p0 [sflag:s8], $0x0  }
0x24: {  	s3 =	sadd.s32 $0x88, s3;
	s6 =	simm.s32 @!p1 $0x1082;
	[sflag:s4] =	ssyncset.s32 $0xFFFFF086  }
0x25: {  	[simem:s6], [sflag:s4] =	dma.local [hbm:s3], $0xF7A  }
0x26: {  	[smem:$0x3F99] =	sst s1;
	(tag) =	ssettag s2;
	_ =	strace s9  }
0x27: {  	s1 =	sld [smem:$0x3FA9]  }
0x28: {  	s2 =	sld [smem:$0x3FAA]  }
0x29: {  	s4 =	sld [smem:$0x3FAC]  }
0x2a: {  	p0 =	seq.s32 s5, $0x0;
	s5 =	sld [smem:$0x3FAD]  }
0x2b: {  	s6 =	sld [smem:$0x3FAE]  }
0x2c: {  	s7 =	sld [smem:$0x3FAF]  }
0x2d: {  	s3 =	simm.s32 $0x108;
	s8 =	sld [smem:$0x3FB0]  }
0x2e: {  	s3 =	simm.s32 @!p0 $0x1082;
	s9 =	sld [smem:$0x3FB1]  }
0x2f: {  	lr =	sadd.s32 s0, s3;
	s0 =	sld [smem:$0x3FA8]  }
0x30: {  	s3 =	sld [smem:$0x3FAB]  }
0x31: {  	[smem:$0x3FB4] =	sst s10  }
0x32: {  	s10 =	sld [smem:$0x3FB2];
	_ =	sdelay $0x3  }
0x33: {  	p0 =	seq.s32 s10, $0x1;
	s10 =	sld [smem:$0x3FB4];
	_ =	sdelay $0x3  }
0x34: {  	[smem:$0x3FB4] =	sst s10  }
0x35: {  	s10 =	sld [smem:$0x3FB3];
	_ =	sdelay $0x3  }
0x36: {  	p1 =	seq.s32 s10, $0x1;
	s10 =	sld [smem:$0x3FB4];
	_ =	sdelay $0x3  }
0x37: {  	[smem:$0x3FB4] =	sst s10  }
0x38: {  	s10 =	sld [smem:$0x3FB5]  }
0x39: {  	_ = 	snop;
	(pc) =	sbr.ind lr, $3  }
0x3a: {  	_ = 	snop  }
0x3b: {  	_ = 	snop  }
0x3c: {  	p2 =	seq.s32 s10, $0x1;
	s10 =	sld [smem:$0x3FB4]  }
0x3d: {  	_ =	shalt  }
0x3e: {  	_ =	shalt  }
0x3f: {  	_ =	shalt  }
0x40: {  	_ =	shalt  }
0x41: {  	_ =	shalt  }
0x42: {  	_ =	shalt  }
0x43: {  	_ =	shalt  }
0x44: {  	_ =	shalt  }
0x45: {  	_ =	shalt  }
0x46: {  	_ =	shalt  }
0x47: {  	_ =	shalt  }
0x48: {  	_ =	shalt  }
0x49: {  	_ =	shalt  }
0x4a: {  	_ =	shalt  }
0x4b: {  	_ =	shalt  }
0x4c: {  	_ =	shalt  }
0x4d: {  	_ =	shalt  }
0x4e: {  	_ =	shalt  }
0x4f: {  	_ =	shalt  }
0x50: {  	_ =	shalt  }
0x51: {  	_ =	shalt  }
0x52: {  	_ =	shalt  }
0x53: {  	_ =	shalt  }
0x54: {  	_ =	shalt  }
0x55: {  	_ =	shalt  }
0x56: {  	_ =	shalt  }
0x57: {  	_ =	shalt  }
0x58: {  	_ =	shalt  }
0x59: {  	_ =	shalt  }
0x5a: {  	_ =	shalt  }
0x5b: {  	_ =	shalt  }
0x5c: {  	_ =	shalt  }
0x5d: {  	_ =	shalt  }
0x5e: {  	_ =	shalt  }
0x5f: {  	_ =	shalt  }
0x60: {  	_ =	shalt  }
0x61: {  	_ =	shalt  }
0x62: {  	_ =	shalt  }
0x63: {  	_ =	shalt  }
0x64: {  	_ =	shalt  }
0x65: {  	_ =	shalt  }
0x66: {  	_ =	shalt  }
0x67: {  	_ =	shalt  }
0x68: {  	_ =	shalt  }
0x69: {  	_ =	shalt  }
0x6a: {  	_ =	shalt  }
0x6b: {  	_ =	shalt  }
0x6c: {  	_ =	shalt  }
0x6d: {  	_ =	shalt  }
0x6e: {  	_ =	shalt  }
0x6f: {  	_ =	shalt  }
0x70: {  	_ =	shalt  }
0x71: {  	_ =	shalt  }
0x72: {  	_ =	shalt  }
0x73: {  	_ =	shalt  }
0x74: {  	_ =	shalt  }
0x75: {  	_ =	shalt  }
0x76: {  	_ =	shalt  }
0x77: {  	_ =	shalt  }
0x78: {  	_ =	shalt  }
0x79: {  	_ =	shalt  }
0x7a: {  	_ =	shalt  }
0x7b: {  	_ =	shalt  }
0x7c: {  	_ =	shalt  }
0x7d: {  	_ =	shalt  }
0x7e: {  	_ =	shalt  }
0x7f: {  	_ =	shalt  }
0x80: {  	_ =	shalt  }
0x81: {  	_ =	shalt  }
0x82: {  	_ =	shalt  }
0x83: {  	_ =	shalt  }
0x84: {  	_ =	shalt  }
0x85: {  	_ =	shalt  }
0x86: {  	_ =	shalt  }
0x87: {  	_ =	shalt  }
.Lfunc_end0:
.L_simem_size_0:
called_computation.3_lowered:
.L_overlay_start_0:
0x88: {  	s2 =	sld [smem:$0x3FD9]  }
0x89: {  	s3 =	sld [smem:$0x3FFE];
	_ =	sdelay $0x1  }
0x8a: {  	s1 =	srdreg.scid  }
0x8b: {  	s0 =	sand.u32 $0x1, s1  }
0x8c: {  	s16 =	sshll.u32 s0, $0xA;
	s2 =	sadd.s32 s3, s2  }
0x8d: {  	s2 =	sadd.s32 s2, s16  }
0x8e: {  	[smem:$0x3FC0] =	sst s2  }
0x8f: {  	_ = 	snop  }
0x90: {  	(tm) =	ssettm $0x1  }
0x91: {  	s17 =	sld [smem:$0x3FFB];
	_ =	sdelay $0x3  }
0x92: {  	_ =	strace s17  }
0x93: {  	s2 =	sld [smem:$0x3FFC];
	_ =	sdelay $0x3  }
0x94: {  	_ =	strace s2  }
0x95: {  	s2 =	sld [smem:$0x3FFD];
	_ =	sdelay $0x3  }
0x96: {  	_ =	strace s2  }
0x97: {  	_ =	strace $0x8FFFFFFF  }
0x98: {  	s18 =	sld [smem:$0x3FDB];
	_ =	sdelay $0x1  }
0x99: {  	s19 =	simm.s32 $_scs_section_size  }
0x9a: {  	s4 =	simm.s32 $_size__tile_overlayer_lowered;
	s5 =	simm.s32 $_tile_overlayer_lowered  }
0x9b: {  	s22 =	simm.s32 $0x1BFF;
	s21 =	sshll.u32 s5, $0x1;
	s2 =	sadd.s32 s19, s18  }
0x9c: {  	s6 =	simm.s32 $0x0;
	s20 =	sshll.u32 s4, $0x1;
	s4 =	sadd.s32 s21, s2  }
0x9d: {  	[timem:s6], [sflag:s22] =	dma.local [hbm:s4], s20  }
0x9e: {  	_ =	swait.ge [sflag:s22], s20  }
0x9f: {  	s3 =	ssub.s32 $0x0, s20;
	[sflag:s22] =	ssyncset.done $0x0  }
0xa0: {  	[sflag:s22] =	ssyncadd.s32 s3;
	_ =	sdelay $0x1  }
0xa1: {  	s23 =	simm.s32 $0x1B8B  }
0xa2: {  	_ =	swait.ge [sflag:s23], $0x1  }
0xa3: {  	[sflag:s23] =	ssyncset.done $0x0  }
0xa4: {  	s25 =	simm.s32 $0x1B8E;
	s24 =	sld [smem:$0x3FFE];
	[sflag:s23] =	ssyncadd.s32 $0xFFFFFFFF  }
0xa5: {  	s26 =	simm.s32 $execute0_lowered;
	[smem:$0x3FD2] =	sst s25  }
0xa6: {  	s4 =	sshll.u32 s26, $0x1;
	_ =	strace $0x8000004F;
	[dreg:$0x1] =	wrdreg $0xFFFFFFFF  }
0xa7: {  	s28 =	simm.s32 $_size_execute0_lowered;
	s2 =	sadd.s32 s2, s4;
	[dreg:$0x0] =	wrdreg $0x0  }
0xa8: {  	s4 =	sshll.u32 s28, $0x1;
	[dreg:$0x2] =	wrdreg s2  }
0xa9: {  	[dreg:$0x3] =	wrdreg s4  }
0xaa: {  	[dreg:$0x4] =	wrdreg $0xC0  }
0xab: {  	_ =	task [dreg:s6], $0x5FFFF  }
0xac: {  	[dreg:$0x1] =	wrdreg $0xFFFFFFFF  }
0xad: {  	[dreg:$0x0] =	wrdreg $0x60  }
0xae: {  	[dreg:$0x2] =	wrdreg s24  }
0xaf: {  	[dreg:$0x3] =	wrdreg $0x9  }
0xb0: {  	_ =	task.clear_ibuf [dreg:s6], $0x4FFFF;
	_ =	strace $0x9000004F  }
0xb1: {  	s29 =	simm.s32 $0x9;
	_ =	strace $0x80000051  }
0xb2: {  	_ =	swait.ge [sflag:s29], $0x1  }
0xb3: {  	[sflag:s29] =	ssyncadd.s32 $0xFFFFFFFF  }
0xb4: {  	_ =	strace $0x90000051  }
0xb5: {  	_ =	sfence  }
0xb6: {  	s30 =	sld [smem:$0x0];
	_ =	sdelay $0x2  }
0xb7: {  	s31 =	sshll.u32 s1, $0xD;
	s1 =	sshrl.u32 s1, $0x2  }
0xb8: {  	s3 =	sand.u32 $0x4000, s31;
	s1 =	sadd.s32 s1, s30  }
0xb9: {  	s0 =	sor.u32 s3, s0;
	s1 =	sshll.u32 s1, $0x11  }
0xba: {  	s0 =	sor.u32 s1, s0  }
0xbb: {  	s0 =	sadd.s32 $0x8F2B, s0  }
0xbc: {  	[sflag:s0] =	ssyncadd.remote.s32 $0x1  }
0xbd: {  	_ =	sfence.sel $0xFFFF  }
0xbe: {  	[dreg:$0x0] =	wrdreg $0xFFFFFFFF;
	(pc) =	sbr.abs _section_cstart, $3  }
0xbf: {  	[dreg:$0x1] =	wrdreg $0xFFFFFFFF  }
0xc0: {  	_ =	task.clear_ibuf [dreg:s6], $0x2FFFF;
	_ =	strace $0x9FFFFFFF  }
0xc1: {  	(tm) =	ssettm $0x7FFFFFFF  }
tec
execute0_lowered:
.L_overlay_start_1:
0x0: {  	(tag) =	ssettag $0x1  }
0x1: {  	s0 =	srdreg.scid  }
0x2: {  	s5 =	rddreg [dreg:$0x0];
	s11 =	simm.s32 $0x400;
	s12 =	simm.s32 $0x1  }
0x3: {  	s13 =	simm.s32 $0x2780;
	s14 =	simm.s32 $0x4F00;
	s4 =	sand.u32 $0x1, s0  }
0x4: {  	s15 =	simm.s32 $0x7700;
	s0 =	stileid.u32;
	s1 =	sshll.u32 s4, $0x4  }
0x5: {  	s16 =	simm.s32 $0x9F00;
	s17 =	simm.s32 $0xC700;
	s1 =	sor.u32 s0, s1  }
0x6: {  	s18 =	simm.s32 $0x0;
	s2 =	sshll.u32 s0, $0x7;
	s3 =	sshrl.u32 s1, $0x3  }
0x7: {  	s8 =	ssub.s32 $0x2, s4;
	s7 =	sand.u32 $0x380, s2;
	s6 =	smul.u32 $0x13C00, s3  }
0x8: {  	s2 =	simm.s32 $0x0;
	s1 =	rddreg [dreg:$0x1];
	s3 =	smul.u32 $0x14000, s3  }
0x9: {  	s4 =	sadd.s32 $0x2BC00, s5;
	s31 =	sshrl.u32 s8, $0x1;
	[smem:$0x7FF] =	sst s2  }
0xa: {  	s10 =	ssub.s32 s8, s31;
	s6 =	sor.u32 s7, s6;
	s7 =	sor.u32 s7, s3  }
0xb: {  	_ =	strace $0x80000050;
	s6 =	sshrl.u32 s6, $0x3;
	s7 =	sshrl.u32 s7, $0x3  }
0xc: {  	s3 =	sadd.s32 $0x2B600, s5;
	s6 =	sadd.s32 s6, s5;
	s9 =	sadd.s32 s7, s5  }
0xd: {  	s5 =	sadd.s32 $0x8E400, s6;
	s6 =	sadd.s32 $0x5C600, s6;
	s7 =	sadd.s32 $0x2C200, s9  }
0xe: {  	v0 =	vimm.f32 $0.0e+00;
	s8 =	sadd.s32 $0x36200, s9;
	s9 =	smax.u32 s10, $0x1;
	s10 =	simm.s32 $0x80  }
.LBB2_1:
0xf: {  	[tilespmem:s2], [sflag:$0x1] =	stream.strided.gather [hbm4b:s5+s10], $0x2780, s11, s10, $0x38;
	[tilespmem:$0xEF00] =	vst v63  }
0x10: {  	_ =	swait.ge [sflag:s12], $0x2780  }
0x11: {  	[sflag:s12] =	ssyncset.done $0x0  }
0x12: {  	[sflag:s12] =	ssyncadd.s32 $0xFFFFD880  }
0x13: {  	[tilespmem:s13], [sflag:$0x1] =	stream.strided.gather [hbm4b:s6+s10], $0x2780, s11, s10, $0x38;
	[tilespmem:$0xEF00] =	vst v63  }
0x14: {  	_ =	swait.ge [sflag:s12], $0x2780  }
0x15: {  	[sflag:s12] =	ssyncset.done $0x0  }
0x16: {  	[sflag:s12] =	ssyncadd.s32 $0xFFFFD880  }
0x17: {  	[tilespmem:s14], [sflag:$0x1] =	stream.linear.gather [hbm4b:s3+s2], $0x2800, $0x38;
	[tilespmem:$0xEF00] =	vst v63  }
0x18: {  	_ =	swait.ge [sflag:s12], $0x2800  }
0x19: {  	[sflag:s12] =	ssyncset.done $0x0  }
0x1a: {  	[sflag:s12] =	ssyncadd.s32 $0xFFFFD800  }
0x1b: {  	[tilespmem:s15], [sflag:$0x1] =	stream.linear.gather [hbm4b:s4+s2], $0x2800, $0x38;
	[tilespmem:$0xEF00] =	vst v63  }
0x1c: {  	_ =	swait.ge [sflag:s12], $0x2800  }
0x1d: {  	[sflag:s12] =	ssyncset.done $0x0  }
0x1e: {  	s19 =	simm.s32 $0x0;
	[sflag:s12] =	ssyncadd.s32 $0xFFFFD800  }
.LBB2_2:
0x1f: {  	p0 =	sne.s32 s19, $0x9FC0  }
.Ltmp0:
0x20: {  	_ = 	snop;
	(pc) =	sbr.rel @p0 .LBB2_2-.Ltmp0, $4  }
0x21: {  	_ = 	snop  }
0x22: {  	s20 =	sshra.s32 s19, $0x2  }
0x23: {  	[tilespmem:s20+$0x9F00] =	vst v0  }
0x24: {  	s19 =	sadd.s32 $0x40, s19;
	[tilespmem:s20+$0xC700] =	vst v0  }
0x25: {  	s19 =	simm.s32 $0x0  }
0x26: {  	v2 =	vld [tilespmem:s19+$0x0];
	_ =	sdelay $0x4  }
0x27: {  	v1 =	vld [tilespmem:s19+$0x2780];
	_ =	sdelay $0x2  }
0x28: {  	v3 =	vld.idx.msk [tilespmem:v2+s14+$0x0], $0xffff;
	_ =	sdelay $0x4  }
0x29: {  	[tilespmem:v1+s16+$0x0] =	vst.idx.add.f32.msk $0xffff, v3  }
0x2a: {  	s20 =	simm.s32 $0x80;
	s19 =	simm.s32 $0x40;
	v2 =	vld.idx.msk [tilespmem:v2+s15+$0x0], $0xffff  }
.LBB2_4:
0x2b: {  	_ =	sdelay $0x2  }
0x2c: {  	p0 =	sne.s32 s20, $0x9C00  }
0x2d: {  	s21 =	sshra.s32 s19, $0x2;
	s19 =	smov.u32 s20;
	s20 =	sadd.s32 $0x40, s20;
	[tilespmem:v1+s17+$0x0] =	vst.idx.add.f32.msk $0xffff, v2  }
0x2e: {  	v2 =	vld [tilespmem:s21+$0x0];
	_ =	sdelay $0x5  }
0x2f: {  	v1 =	vld [tilespmem:s21+$0x2780];
	_ =	sdelay $0x1  }
0x30: {  	v3 =	vld.idx.msk [tilespmem:v2+s14+$0x0], $0xffff;
	_ =	sdelay $0x2  }
.Ltmp1:
0x31: {  	(pc) =	sbr.rel @p0 .LBB2_4-.Ltmp1, $3  }
0x32: {  	_ =	sdelay $0x1  }
0x33: {  	[tilespmem:v1+s16+$0x0] =	vst.idx.add.f32.msk $0xffff, v3  }
0x34: {  	v2 =	vld.idx.msk [tilespmem:v2+s15+$0x0], $0xffff  }
0x35: {  	_ =	sdelay $0x3  }
0x36: {  	s19 =	sshra.s32 s19, $0x2;
	[tilespmem:v1+s17+$0x0] =	vst.idx.add.f32.msk $0xffff, v2  }
0x37: {  	v1 =	vld [tilespmem:s19+$0x0];
	_ =	sdelay $0x4  }
0x38: {  	v2 =	vld [tilespmem:s19+$0x2780];
	_ =	sdelay $0x2  }
0x39: {  	v3 =	vld.idx.msk [tilespmem:v1+s14+$0x0], $0xffff;
	_ =	sdelay $0x4  }
0x3a: {  	[tilespmem:v2+s16+$0x0] =	vst.idx.add.f32.msk $0xffff, v3  }
0x3b: {  	v1 =	vld.idx.msk [tilespmem:v1+s15+$0x0], $0xffff;
	_ =	sdelay $0x4  }
0x3c: {  	[tilespmem:v2+s17+$0x0] =	vst.idx.add.f32.msk $0xffff, v1  }
0x3d: {  	[hbm4b:s7+s10] =	stream.strided.scatter [tilespmem:s16], [sflag:$0x1], $0x2800, s11, s10, $0x38;
	[tilespmem:$0xEF00] =	vst v63  }
0x3e: {  	s18 =	sadd.s32 $0x1, s18;
	_ =	swait.ge [sflag:s12], $0x2800  }
0x3f: {  	p0 =	sne.s32 s18, s9;
	[sflag:s12] =	ssyncset.done $0x0  }
.Ltmp2:
0x40: {  	[sflag:s12] =	ssyncadd.s32 $0xFFFFD800;
	(pc) =	sbr.rel @p0 .LBB2_1-.Ltmp2, $4  }
0x41: {  	[hbm4b:s8+s10] =	stream.strided.scatter [tilespmem:s17], [sflag:$0x1], $0x2800, s11, s10, $0x38;
	[tilespmem:$0xEF00] =	vst v63  }
0x42: {  	_ =	swait.ge [sflag:s12], $0x2800  }
0x43: {  	[sflag:s12] =	ssyncset.done $0x0  }
0x44: {  	[sflag:s12] =	ssyncadd.s32 $0xFFFFD800  }
0x45: {  	_ =	sfence.sel $0x180000  }
0x46: {  	[bflag:$0x0] =	sbarrier.arrive $0xFFFF  }
0x47: {  	p0 =	sne.s32 s0, $0x0;
	_ =	strace $0x90000050  }
0x48: {  	s0 =	sadd.s32 @!p0 $0x100000, s1;
	[bflag:$0x2] =	sbarrier.arrive $0xFFFF  }
0x49: {  	[sflag:s0] =	ssyncadd.tile.s32 @!p0 $0x1;
	_ =	shalt  }
.Lfunc_end2:
_tile_overlayer_lowered:
.L_overlay_start_2:
0x4a: {  	(tag) =	ssettag $0x2  }
0x4b: {  	s0 =	rddreg [dreg:$0x0];
	s2 =	stileid.u32  }
0x4c: {  	s1 =	rddreg [dreg:$0x1];
	p0 =	sne.s32 s2, $0x0  }
0x4d: {  	s3 =	rddreg [dreg:$0x2];
	[bflag:$0x3] =	sbarrier.arrive $0xFFFF;
	s2 =	simm.s32 @!p0 $0x1C01  }
0x4e: {  	[timem:s3], [sflag:s2] =	dma.local @!p0 [hbm:s0], s1  }
0x4f: {  	s0 =	simm.s32 @!p0 $0x1  }
0x50: {  	_ =	swait.ge @!p0 [sflag:s0], s1  }
0x51: {  	s1 =	ssub.s32 @!p0 $0x0, s1;
	[sflag:s0] =	ssyncset.done @!p0 $0x0  }
0x52: {  	[sflag:s0] =	ssyncadd.s32 @!p0 s1  }
0x53: {  	[bflag:$0x3] =	sbarrier.arrive $0xFFFF  }
0x54: {  	_ =	shalt  }

// kernel: kernel.24.cloned.1.call-start
scs
__scs_entry_jumppad:
0x0: {  	(pc) =	sbr.rel $0x88, $3  }
0x1: {  	(tag) =	ssettag $0x0;
	lr =	simm.s32 $0x1  }
0x2: {  	[smem:$0x3F99] =	sst lr;
	_ =	strace $0xD0000000  }
0x3: {  	_ = 	snop  }
0x4: {  	_ = 	snop  }
0x5: {  	_ = 	snop  }
0x6: {  	_ = 	snop  }
0x7: {  	_ = 	snop  }
__scs_overlays_trampoline_lowered:
0x8: {  	[smem:$0x3FA8] =	sst s0  }
0x9: {  	[smem:$0x3FA9] =	sst s1  }
0xa: {  	[smem:$0x3FAA] =	sst s2  }
0xb: {  	[smem:$0x3FAB] =	sst s3  }
0xc: {  	[smem:$0x3FAC] =	sst s4  }
0xd: {  	[smem:$0x3FAD] =	sst s5  }
0xe: {  	[smem:$0x3FAE] =	sst s6  }
0xf: {  	[smem:$0x3FAF] =	sst s7  }
0x10: {  	[smem:$0x3FB0] =	sst s8  }
0x11: {  	[smem:$0x3FB1] =	sst s9;
	s0 =	simm.s32 @!p0 $0x0  }
0x12: {  	s1 =	sld [smem:$0x3F97];
	s0 =	simm.s32 @p0 $0x1  }
0x13: {  	[smem:$0x3FB2] =	sst s0;
	s0 =	simm.s32 @!p1 $0x0  }
0x14: {  	s2 =	sld [smem:$0x3F96];
	s0 =	simm.s32 @p1 $0x1  }
0x15: {  	[smem:$0x3FB3] =	sst s0;
	s0 =	simm.s32 @!p2 $0x0  }
0x16: {  	s3 =	sld [smem:$0x3FDB];
	s0 =	simm.s32 @p2 $0x1  }
0x17: {  	s4 =	simm.s32 $0x1BF5;
	[smem:$0x3FB5] =	sst s0  }
0x18: {  	s0 =	sld [smem:$0x3F98];
	_ =	swait.ge [sflag:s4], $0x0  }
0x19: {  	s7 =	sld [smem:$0x3F99]  }
0x1a: {  	s8 =	sadd.s32 $0xFFFFE003, lr  }
0x1b: {  	s9 =	sadd.s32 $0xFFFFFEF7, lr;
	s5 =	simm.s32 $0xFFFFFFFF;
	p2 =	slt.u32 s8, $0xFFFFF086  }
0x1c: {  	p1 =	slt.u32 s9, $0xF7A;
	s5 =	simm.s32 @!p2 $0x0  }
0x1d: {  	s5 =	simm.s32 @p1 $0x1;
	p0 =	seq.s32 s7, s2  }
0x1e: {  	s7 =	smul.u32 @!p0 $0xF7A, s2;
	p2 =	seq.s32 @!p0 s5, $0x0  }
0x1f: {  	s9 =	smul.u32 $0xF7A, s1;
	s8 =	simm.s32 @!p0 $0x1BF5;
	p2 =	por !p2, p0  }
0x20: {  	[sflag:s8] =	ssyncset.s32 @!p0 $0xFFFFF086;
	s6 =	sadd.s32 @!p0 s3, s7;
	s7 =	simm.s32 @!p0 $0x108  }
0x21: {  	s3 =	sadd.s32 s3, s9;
	s6 =	sadd.s32 @!p0 $0x88, s6;
	s7 =	simm.s32 @p2 $0x1082  }
0x22: {  	[simem:s7], [sflag:s8] =	dma.local @!p0 [hbm:s6], $0xF7A  }
0x23: {  	s9 =	sor.u32 $0xD0000000, s2;
	s6 =	simm.s32 $0x108;
	_ =	swait.ge @!p0 [sflag:s8], $0x0  }
0x24: {  	s3 =	sadd.s32 $0x88, s3;
	s6 =	simm.s32 @!p1 $0x1082;
	[sflag:s4] =	ssyncset.s32 $0xFFFFF086  }
0x25: {  	[simem:s6], [sflag:s4] =	dma.local [hbm:s3], $0xF7A  }
0x26: {  	[smem:$0x3F99] =	sst s1;
	(tag) =	ssettag s2;
	_ =	strace s9  }
0x27: {  	s1 =	sld [smem:$0x3FA9]  }
0x28: {  	s2 =	sld [smem:$0x3FAA]  }
0x29: {  	s4 =	sld [smem:$0x3FAC]  }
0x2a: {  	p0 =	seq.s32 s5, $0x0;
	s5 =	sld [smem:$0x3FAD]  }
0x2b: {  	s6 =	sld [smem:$0x3FAE]  }
0x2c: {  	s7 =	sld [smem:$0x3FAF]  }
0x2d: {  	s3 =	simm.s32 $0x108;
	s8 =	sld [smem:$0x3FB0]  }
0x2e: {  	s3 =	simm.s32 @!p0 $0x1082;
	s9 =	sld [smem:$0x3FB1]  }
0x2f: {  	lr =	sadd.s32 s0, s3;
	s0 =	sld [smem:$0x3FA8]  }
0x30: {  	s3 =	sld [smem:$0x3FAB]  }
0x31: {  	[smem:$0x3FB4] =	sst s10  }
0x32: {  	s10 =	sld [smem:$0x3FB2];
	_ =	sdelay $0x3  }
0x33: {  	p0 =	seq.s32 s10, $0x1;
	s10 =	sld [smem:$0x3FB4];
	_ =	sdelay $0x3  }
0x34: {  	[smem:$0x3FB4] =	sst s10  }
0x35: {  	s10 =	sld [smem:$0x3FB3];
	_ =	sdelay $0x3  }
0x36: {  	p1 =	seq.s32 s10, $0x1;
	s10 =	sld [smem:$0x3FB4];
	_ =	sdelay $0x3  }
0x37: {  	[smem:$0x3FB4] =	sst s10  }
0x38: {  	s10 =	sld [smem:$0x3FB5]  }
0x39: {  	_ = 	snop;
	(pc) =	sbr.ind lr, $3  }
0x3a: {  	_ = 	snop  }
0x3b: {  	_ = 	snop  }
0x3c: {  	p2 =	seq.s32 s10, $0x1;
	s10 =	sld [smem:$0x3FB4]  }
0x3d: {  	_ =	shalt  }
0x3e: {  	_ =	shalt  }
0x3f: {  	_ =	shalt  }
0x40: {  	_ =	shalt  }
0x41: {  	_ =	shalt  }
0x42: {  	_ =	shalt  }
0x43: {  	_ =	shalt  }
0x44: {  	_ =	shalt  }
0x45: {  	_ =	shalt  }
0x46: {  	_ =	shalt  }
0x47: {  	_ =	shalt  }
0x48: {  	_ =	shalt  }
0x49: {  	_ =	shalt  }
0x4a: {  	_ =	shalt  }
0x4b: {  	_ =	shalt  }
0x4c: {  	_ =	shalt  }
0x4d: {  	_ =	shalt  }
0x4e: {  	_ =	shalt  }
0x4f: {  	_ =	shalt  }
0x50: {  	_ =	shalt  }
0x51: {  	_ =	shalt  }
0x52: {  	_ =	shalt  }
0x53: {  	_ =	shalt  }
0x54: {  	_ =	shalt  }
0x55: {  	_ =	shalt  }
0x56: {  	_ =	shalt  }
0x57: {  	_ =	shalt  }
0x58: {  	_ =	shalt  }
0x59: {  	_ =	shalt  }
0x5a: {  	_ =	shalt  }
0x5b: {  	_ =	shalt  }
0x5c: {  	_ =	shalt  }
0x5d: {  	_ =	shalt  }
0x5e: {  	_ =	shalt  }
0x5f: {  	_ =	shalt  }
0x60: {  	_ =	shalt  }
0x61: {  	_ =	shalt  }
0x62: {  	_ =	shalt  }
0x63: {  	_ =	shalt  }
0x64: {  	_ =	shalt  }
0x65: {  	_ =	shalt  }
0x66: {  	_ =	shalt  }
0x67: {  	_ =	shalt  }
0x68: {  	_ =	shalt  }
0x69: {  	_ =	shalt  }
0x6a: {  	_ =	shalt  }
0x6b: {  	_ =	shalt  }
0x6c: {  	_ =	shalt  }
0x6d: {  	_ =	shalt  }
0x6e: {  	_ =	shalt  }
0x6f: {  	_ =	shalt  }
0x70: {  	_ =	shalt  }
0x71: {  	_ =	shalt  }
0x72: {  	_ =	shalt  }
0x73: {  	_ =	shalt  }
0x74: {  	_ =	shalt  }
0x75: {  	_ =	shalt  }
0x76: {  	_ =	shalt  }
0x77: {  	_ =	shalt  }
0x78: {  	_ =	shalt  }
0x79: {  	_ =	shalt  }
0x7a: {  	_ =	shalt  }
0x7b: {  	_ =	shalt  }
0x7c: {  	_ =	shalt  }
0x7d: {  	_ =	shalt  }
0x7e: {  	_ =	shalt  }
0x7f: {  	_ =	shalt  }
0x80: {  	_ =	shalt  }
0x81: {  	_ =	shalt  }
0x82: {  	_ =	shalt  }
0x83: {  	_ =	shalt  }
0x84: {  	_ =	shalt  }
0x85: {  	_ =	shalt  }
0x86: {  	_ =	shalt  }
0x87: {  	_ =	shalt  }
.Lfunc_end0:
.L_simem_size_0:
called_computation.4_lowered:
.L_overlay_start_0:
0x88: {  	s2 =	sld [smem:$0x3FD9]  }
0x89: {  	s3 =	sld [smem:$0x3FFE];
	_ =	sdelay $0x1  }
0x8a: {  	s1 =	srdreg.scid  }
0x8b: {  	s0 =	sand.u32 $0x1, s1  }
0x8c: {  	s16 =	sshll.u32 s0, $0xA;
	s2 =	sadd.s32 s3, s2  }
0x8d: {  	s2 =	sadd.s32 s2, s16  }
0x8e: {  	[smem:$0x3FC0] =	sst s2  }
0x8f: {  	_ = 	snop  }
0x90: {  	(tm) =	ssettm $0x1  }
0x91: {  	s17 =	sld [smem:$0x3FFB];
	_ =	sdelay $0x3  }
0x92: {  	_ =	strace s17  }
0x93: {  	s2 =	sld [smem:$0x3FFC];
	_ =	sdelay $0x3  }
0x94: {  	_ =	strace s2  }
0x95: {  	s2 =	sld [smem:$0x3FFD];
	_ =	sdelay $0x3  }
0x96: {  	_ =	strace s2  }
0x97: {  	_ =	strace $0x8FFFFFFF  }
0x98: {  	s18 =	sld [smem:$0x3FDB];
	_ =	sdelay $0x1  }
0x99: {  	s19 =	simm.s32 $_scs_section_size  }
0x9a: {  	s4 =	simm.s32 $_size__tile_overlayer_lowered;
	s5 =	simm.s32 $_tile_overlayer_lowered  }
0x9b: {  	s22 =	simm.s32 $0x1BFF;
	s21 =	sshll.u32 s5, $0x1;
	s2 =	sadd.s32 s19, s18  }
0x9c: {  	s6 =	simm.s32 $0x0;
	s20 =	sshll.u32 s4, $0x1;
	s4 =	sadd.s32 s21, s2  }
0x9d: {  	[timem:s6], [sflag:s22] =	dma.local [hbm:s4], s20  }
0x9e: {  	_ =	swait.ge [sflag:s22], s20  }
0x9f: {  	s3 =	ssub.s32 $0x0, s20;
	[sflag:s22] =	ssyncset.done $0x0  }
0xa0: {  	[sflag:s22] =	ssyncadd.s32 s3;
	_ =	sdelay $0x1  }
0xa1: {  	s23 =	simm.s32 $0x1B8B  }
0xa2: {  	_ =	swait.ge [sflag:s23], $0x1  }
0xa3: {  	[sflag:s23] =	ssyncset.done $0x0  }
0xa4: {  	s25 =	simm.s32 $0x1B8E;
	s24 =	sld [smem:$0x3FFE];
	[sflag:s23] =	ssyncadd.s32 $0xFFFFFFFF  }
0xa5: {  	s26 =	simm.s32 $execute0_lowered;
	[smem:$0x3FD2] =	sst s25  }
0xa6: {  	s4 =	sshll.u32 s26, $0x1;
	_ =	strace $0x80000052;
	[dreg:$0x1] =	wrdreg $0xFFFFFFFF  }
0xa7: {  	s28 =	simm.s32 $_size_execute0_lowered;
	s2 =	sadd.s32 s2, s4;
	[dreg:$0x0] =	wrdreg $0x0  }
0xa8: {  	s4 =	sshll.u32 s28, $0x1;
	[dreg:$0x2] =	wrdreg s2  }
0xa9: {  	[dreg:$0x3] =	wrdreg s4  }
0xaa: {  	[dreg:$0x4] =	wrdreg $0xC0  }
0xab: {  	_ =	task [dreg:s6], $0x5FFFF  }
0xac: {  	[dreg:$0x1] =	wrdreg $0xFFFFFFFF  }
0xad: {  	[dreg:$0x0] =	wrdreg $0x60  }
0xae: {  	[dreg:$0x2] =	wrdreg s24  }
0xaf: {  	[dreg:$0x3] =	wrdreg $0x9  }
0xb0: {  	_ =	task.clear_ibuf [dreg:s6], $0x4FFFF;
	_ =	strace $0x90000052  }
0xb1: {  	s29 =	simm.s32 $0x9;
	_ =	strace $0x80000054  }
0xb2: {  	_ =	swait.ge [sflag:s29], $0x1  }
0xb3: {  	[sflag:s29] =	ssyncadd.s32 $0xFFFFFFFF  }
0xb4: {  	_ =	strace $0x90000054  }
0xb5: {  	_ =	sfence  }
0xb6: {  	s30 =	sld [smem:$0x0];
	_ =	sdelay $0x2  }
0xb7: {  	s31 =	sshll.u32 s1, $0xD;
	s1 =	sshrl.u32 s1, $0x2  }
0xb8: {  	s3 =	sand.u32 $0x4000, s31;
	s1 =	sadd.s32 s1, s30  }
0xb9: {  	s0 =	sor.u32 s3, s0;
	s1 =	sshll.u32 s1, $0x11  }
0xba: {  	s0 =	sor.u32 s1, s0  }
0xbb: {  	s0 =	sadd.s32 $0x8F2B, s0  }
0xbc: {  	[sflag:s0] =	ssyncadd.remote.s32 $0x1  }
0xbd: {  	_ =	sfence.sel $0xFFFF  }
0xbe: {  	[dreg:$0x0] =	wrdreg $0xFFFFFFFF;
	(pc) =	sbr.abs _section_cstart, $3  }
0xbf: {  	[dreg:$0x1] =	wrdreg $0xFFFFFFFF  }
0xc0: {  	_ =	task.clear_ibuf [dreg:s6], $0x2FFFF;
	_ =	strace $0x9FFFFFFF  }
0xc1: {  	(tm) =	ssettm $0x7FFFFFFF  }
tec
execute0_lowered:
.L_overlay_start_1:
0x0: {  	(tag) =	ssettag $0x1  }
0x1: {  	s0 =	srdreg.scid;
	s4 =	rddreg [dreg:$0x0];
	s2 =	simm.s32 $0x0  }
0x2: {  	s10 =	simm.s32 $0x400;
	s11 =	simm.s32 $0x1;
	s3 =	sand.u32 $0x1, s0  }
0x3: {  	s12 =	simm.s32 $0x2780;
	s0 =	stileid.u32;
	s1 =	sshll.u32 s3, $0x4  }
0x4: {  	s13 =	simm.s32 $0x4F00;
	s14 =	simm.s32 $0x7700;
	s1 =	sor.u32 s0, s1  }
0x5: {  	s15 =	simm.s32 $0x9F00;
	s16 =	simm.s32 $0xC700;
	s5 =	sshrl.u32 s1, $0x3  }
0x6: {  	s17 =	simm.s32 $0x0;
	[smem:$0x7FF] =	sst s2;
	s7 =	smul.u32 $0x13C00, s5  }
0x7: {  	s6 =	sshll.u32 s0, $0x7;
	s30 =	ssub.s32 $0x2, s3;
	s5 =	smul.u32 $0x14000, s5  }
0x8: {  	s3 =	sadd.s32 $0x53600, s4;
	s6 =	sand.u32 $0x380, s6;
	s31 =	sshrl.u32 s30, $0x1  }
0x9: {  	s1 =	rddreg [dreg:$0x1];
	s7 =	sor.u32 s6, s7;
	s5 =	sor.u32 s6, s5  }
0xa: {  	_ =	strace $0x80000053;
	s7 =	sshrl.u32 s7, $0x3;
	s5 =	sshrl.u32 s5, $0x3  }
0xb: {  	s9 =	ssub.s32 s30, s31;
	s29 =	sadd.s32 s7, s4;
	s8 =	sadd.s32 s5, s4  }
0xc: {  	s4 =	sadd.s32 $0x8E400, s29;
	s5 =	sadd.s32 $0x5C600, s29;
	s6 =	sadd.s32 $0xA2200, s8  }
0xd: {  	v0 =	vimm.f32 $0.0e+00;
	s7 =	sadd.s32 $0x98200, s8;
	s8 =	smax.u32 s9, $0x1;
	s9 =	simm.s32 $0x80  }
.LBB2_1:
0xe: {  	[tilespmem:s2], [sflag:$0x1] =	stream.strided.gather [hbm4b:s4+s9], $0x2780, s10, s9, $0x38;
	[tilespmem:$0xEF00] =	vst v63  }
0xf: {  	_ =	swait.ge [sflag:s11], $0x2780  }
0x10: {  	[sflag:s11] =	ssyncset.done $0x0  }
0x11: {  	[sflag:s11] =	ssyncadd.s32 $0xFFFFD880  }
0x12: {  	[tilespmem:s12], [sflag:$0x1] =	stream.strided.gather [hbm4b:s5+s9], $0x2780, s10, s9, $0x38;
	[tilespmem:$0xEF00] =	vst v63  }
0x13: {  	_ =	swait.ge [sflag:s11], $0x2780  }
0x14: {  	[sflag:s11] =	ssyncset.done $0x0  }
0x15: {  	[sflag:s11] =	ssyncadd.s32 $0xFFFFD880  }
0x16: {  	[tilespmem:s13], [sflag:$0x1] =	stream.linear.gather [hbm4b:s3+s2], $0x2800, $0x38;
	[tilespmem:$0xEF00] =	vst v63  }
0x17: {  	_ =	swait.ge [sflag:s11], $0x2800  }
0x18: {  	[sflag:s11] =	ssyncset.done $0x0  }
0x19: {  	[sflag:s11] =	ssyncadd.s32 $0xFFFFD800  }
0x1a: {  	[tilespmem:s14], [sflag:$0x1] =	stream.linear.gather [hbm4b:s3+s2], $0x2800, $0x38;
	[tilespmem:$0xEF00] =	vst v63  }
0x1b: {  	_ =	swait.ge [sflag:s11], $0x2800  }
0x1c: {  	[sflag:s11] =	ssyncset.done $0x0  }
0x1d: {  	s18 =	simm.s32 $0x0;
	[sflag:s11] =	ssyncadd.s32 $0xFFFFD800  }
.LBB2_2:
0x1e: {  	p0 =	sne.s32 s18, $0x9FC0  }
.Ltmp0:
0x1f: {  	_ = 	snop;
	(pc) =	sbr.rel @p0 .LBB2_2-.Ltmp0, $4  }
0x20: {  	_ = 	snop  }
0x21: {  	s19 =	sshra.s32 s18, $0x2  }
0x22: {  	[tilespmem:s19+$0x9F00] =	vst v0  }
0x23: {  	s18 =	sadd.s32 $0x40, s18;
	[tilespmem:s19+$0xC700] =	vst v0  }
0x24: {  	s18 =	simm.s32 $0x0  }
0x25: {  	v2 =	vld [tilespmem:s18+$0x0];
	_ =	sdelay $0x4  }
0x26: {  	v1 =	vld [tilespmem:s18+$0x2780];
	_ =	sdelay $0x2  }
0x27: {  	v3 =	vld.idx.msk [tilespmem:v2+s13+$0x0], $0xffff;
	_ =	sdelay $0x4  }
0x28: {  	[tilespmem:v1+s15+$0x0] =	vst.idx.add.f32.msk $0xffff, v3  }
0x29: {  	s19 =	simm.s32 $0x80;
	s18 =	simm.s32 $0x40;
	v2 =	vld.idx.msk [tilespmem:v2+s14+$0x0], $0xffff  }
.LBB2_4:
0x2a: {  	_ =	sdelay $0x2  }
0x2b: {  	p0 =	sne.s32 s19, $0x9C00  }
0x2c: {  	s20 =	sshra.s32 s18, $0x2;
	s18 =	smov.u32 s19;
	s19 =	sadd.s32 $0x40, s19;
	[tilespmem:v1+s16+$0x0] =	vst.idx.add.f32.msk $0xffff, v2  }
0x2d: {  	v2 =	vld [tilespmem:s20+$0x0];
	_ =	sdelay $0x5  }
0x2e: {  	v1 =	vld [tilespmem:s20+$0x2780];
	_ =	sdelay $0x1  }
0x2f: {  	v3 =	vld.idx.msk [tilespmem:v2+s13+$0x0], $0xffff;
	_ =	sdelay $0x2  }
.Ltmp1:
0x30: {  	(pc) =	sbr.rel @p0 .LBB2_4-.Ltmp1, $3  }
0x31: {  	_ =	sdelay $0x1  }
0x32: {  	[tilespmem:v1+s15+$0x0] =	vst.idx.add.f32.msk $0xffff, v3  }
0x33: {  	v2 =	vld.idx.msk [tilespmem:v2+s14+$0x0], $0xffff  }
0x34: {  	_ =	sdelay $0x3  }
0x35: {  	s18 =	sshra.s32 s18, $0x2;
	[tilespmem:v1+s16+$0x0] =	vst.idx.add.f32.msk $0xffff, v2  }
0x36: {  	v1 =	vld [tilespmem:s18+$0x0];
	_ =	sdelay $0x4  }
0x37: {  	v2 =	vld [tilespmem:s18+$0x2780];
	_ =	sdelay $0x2  }
0x38: {  	v3 =	vld.idx.msk [tilespmem:v1+s13+$0x0], $0xffff;
	_ =	sdelay $0x4  }
0x39: {  	[tilespmem:v2+s15+$0x0] =	vst.idx.add.f32.msk $0xffff, v3  }
0x3a: {  	v1 =	vld.idx.msk [tilespmem:v1+s14+$0x0], $0xffff;
	_ =	sdelay $0x4  }
0x3b: {  	[tilespmem:v2+s16+$0x0] =	vst.idx.add.f32.msk $0xffff, v1  }
0x3c: {  	[hbm4b:s6+s9] =	stream.strided.scatter [tilespmem:s15], [sflag:$0x1], $0x2800, s10, s9, $0x38;
	[tilespmem:$0xEF00] =	vst v63  }
0x3d: {  	s17 =	sadd.s32 $0x1, s17;
	_ =	swait.ge [sflag:s11], $0x2800  }
0x3e: {  	p0 =	sne.s32 s17, s8;
	[sflag:s11] =	ssyncset.done $0x0  }
.Ltmp2:
0x3f: {  	[sflag:s11] =	ssyncadd.s32 $0xFFFFD800;
	(pc) =	sbr.rel @p0 .LBB2_1-.Ltmp2, $4  }
0x40: {  	[hbm4b:s7+s9] =	stream.strided.scatter [tilespmem:s16], [sflag:$0x1], $0x2800, s10, s9, $0x38;
	[tilespmem:$0xEF00] =	vst v63  }
0x41: {  	_ =	swait.ge [sflag:s11], $0x2800  }
0x42: {  	[sflag:s11] =	ssyncset.done $0x0  }
0x43: {  	[sflag:s11] =	ssyncadd.s32 $0xFFFFD800  }
0x44: {  	_ =	sfence.sel $0x180000  }
0x45: {  	[bflag:$0x0] =	sbarrier.arrive $0xFFFF  }
0x46: {  	p0 =	sne.s32 s0, $0x0;
	_ =	strace $0x90000053  }
0x47: {  	s0 =	sadd.s32 @!p0 $0x100000, s1;
	[bflag:$0x2] =	sbarrier.arrive $0xFFFF  }
0x48: {  	[sflag:s0] =	ssyncadd.tile.s32 @!p0 $0x1;
	_ =	shalt  }
.Lfunc_end2:
_tile_overlayer_lowered:
.L_overlay_start_2:
0x49: {  	(tag) =	ssettag $0x2  }
0x4a: {  	s0 =	rddreg [dreg:$0x0];
	s2 =	stileid.u32  }
0x4b: {  	s1 =	rddreg [dreg:$0x1];
	p0 =	sne.s32 s2, $0x0  }
0x4c: {  	s3 =	rddreg [dreg:$0x2];
	[bflag:$0x3] =	sbarrier.arrive $0xFFFF;
	s2 =	simm.s32 @!p0 $0x1C01  }
0x4d: {  	[timem:s3], [sflag:s2] =	dma.local @!p0 [hbm:s0], s1  }
0x4e: {  	s0 =	simm.s32 @!p0 $0x1  }
0x4f: {  	_ =	swait.ge @!p0 [sflag:s0], s1  }
0x50: {  	s1 =	ssub.s32 @!p0 $0x0, s1;
	[sflag:s0] =	ssyncset.done @!p0 $0x0  }
0x51: {  	[sflag:s0] =	ssyncadd.s32 @!p0 s1  }
0x52: {  	[bflag:$0x3] =	sbarrier.arrive $0xFFFF  }
0x53: {  	_ =	shalt  }

</sc_bundles>
